<compile_context>
chip_gen: v7x
topology: tpu7x:2x2x1
jax: 0.10.2.dev20260603
libtpu: 0.0.44.dev20260713+nightly
codegen_flags: <defaults>
</compile_context>

<pallas_src>
import jax
import jax.numpy as jnp
from jax import lax
from jax.experimental import pallas as pl
from jax.experimental.pallas import tpu as pltpu
from jax.experimental.pallas import tpu_sc as plsc

_N, _C, _H, _W = 16, 96, 224, 224
_RC, _CC = 4, 4
_HC, _WC = _H // _RC, _W // _CC

_NCORES = 2
_NSUB = 16
_NW = _NCORES * _NSUB
_CG = 4
_PAIRS_PER_W = (_N * _RC) // _NW


def _permutation_table():
    key = jax.random.key(42)
    keys = jax.random.split(key, _RC * _CC)
    return jnp.stack(
        [jax.random.permutation(keys[i], _N) for i in range(_RC * _CC)], 0)


def _shuffle_body(protos, srcs, out, srcs_v, buf):
    wid = lax.axis_index("s") * _NCORES + lax.axis_index("c")
    pltpu.sync_copy(srcs, srcs_v)

    for p in range(_PAIRS_PER_W):
        pair = wid * _PAIRS_PER_W + p
        n = pair // _RC
        r = pair % _RC
        src_row = srcs_v[pair]

        def body(cg, _):
            cbase = cg * _CG
            for wc in range(_CC):
                src = src_row[wc]
                pltpu.sync_copy(
                    protos.at[src, pl.ds(cbase, _CG),
                              pl.ds(r * _HC, _HC), pl.ds(wc * _WC, _WC)],
                    buf.at[:, :, pl.ds(wc * _WC, _WC)],
                )
            pltpu.sync_copy(
                buf,
                out.at[n, pl.ds(cbase, _CG), pl.ds(r * _HC, _HC), :])
            return 0

        lax.fori_loop(0, _C // _CG, body, 0)


def _shuffle(protos, srcs):
    mesh = plsc.VectorSubcoreMesh(core_axis_name="c", subcore_axis_name="s")
    f = pl.kernel(
        _shuffle_body,
        out_type=jax.ShapeDtypeStruct((_N, _C, _H, _W), jnp.float32),
        mesh=mesh,
        scratch_types=[
            pltpu.VMEM((_N * _RC, 16), jnp.int32),
            pltpu.VMEM((_CG, _HC, _W), jnp.float32),
        ],
        compiler_params=pltpu.CompilerParams(use_tc_tiling_on_sc=False),
    )
    return f(protos, srcs)


def kernel(protos):
    protos = lax.stop_gradient(protos)
    idxs = _permutation_table()
    srcs = jnp.transpose(idxs.reshape(_RC, _CC, _N), (2, 0, 1)).reshape(
        _N * _RC, _CC)
    srcs = jnp.pad(srcs, ((0, 0), (0, 16 - _CC)))
    spro = _shuffle(protos, srcs)
    return spro, idxs

# --- scband reference (transcript-rebuilt; emitter-appended) ---
"""Pipeline reference for scband-neko-rand-shuf-19688130085627 (READ-ONLY COPY).

The authoritative reference and input builder live on the scoring server;
editing this copy changes nothing except your own understanding.
"""

import jax, jax.numpy as jnp
import numpy as np

RCHUNK = 4
CCHUNK = 4


def chunk_shuf_(protos, rchunk, cchunk, key):
    N, C, H, W = protos.shape
    spro = protos.reshape(N, C, rchunk, H // rchunk, cchunk, W // cchunk)
    spro = jnp.transpose(spro, (2, 4, 0, 1, 3, 5))
    spro = spro.reshape(rchunk * cchunk, N, C, H // rchunk, W // cchunk)
    keys = jax.random.split(key, rchunk * cchunk)
    idxs = jnp.stack([jax.random.permutation(keys[i], N) for i in range(rchunk * cchunk)], 0)
    spro = jnp.stack([spro[i][idxs[i]] for i in range(rchunk * cchunk)], 0)
    spro = spro.reshape(rchunk, cchunk, N, C, H // rchunk, W // cchunk)
    spro = jnp.transpose(spro, (2, 3, 0, 4, 1, 5)).reshape(N, C, H, W)
    return spro, idxs


def chunk_shuf(protos, rchunk, cchunk, key):
    # torch version runs under no_grad; emulate with stop_gradient
    protos = jax.lax.stop_gradient(protos)
    N, C, H, W = protos.shape
    assert H % rchunk == 0 and W % cchunk == 0, 'exact-chunk path only'
    return chunk_shuf_(protos, rchunk, cchunk, key)


def setup_inputs(seed: int = 0) -> dict:
    key = jax.random.key(seed)
    protos = jax.random.normal(key, (16, 96, 224, 224), dtype=jnp.float32)
    return {"protos": protos}


def reference(protos):
    key = jax.random.key(42)
    spro, idxs = chunk_shuf(protos, RCHUNK, CCHUNK, key)
    return spro, idxs

if __name__ == "__main__":
    import jax
    _d = setup_inputs()
    print(jax.jit(kernel)(*tuple(_d.values())))

</pallas_src>

<mosaic_0001>
#map = affine_map<(d0, d1) -> (0, 0, 0, 0)>
#map1 = affine_map<(d0, d1) -> (0, 0)>
module attributes {stable_mosaic.version = 14 : i64} {
  func.func @_shuffle_body(%arg0: i32, %arg1: i32, %arg2: memref<16x96x224x224xf32, #tpu.memory_space<hbm>>, %arg3: memref<64x16xi32, #tpu.memory_space<hbm>>, %arg4: memref<16x96x224x224xf32, #tpu.memory_space<hbm>>, %arg5: memref<64x16xi32, #tpu.memory_space<vmem>>, %arg6: memref<4x56x224xf32, #tpu.memory_space<vmem>>) attributes {dimension_semantics = [#tpu.dimension_semantics<core_parallel>, #tpu.dimension_semantics<subcore_parallel>], iteration_bounds = array<i64: 2, 16>, scalar_prefetch = 0 : i64, scratch_operands = 2 : i64, tpu.core_type = #tpu.core_type<sc_vector_subcore>, window_params = [{transform_indices = #map}, {transform_indices = #map1}, {transform_indices = #map}]} {
    %mul3A = arith.constant 2 : i32
    %mul3A_0 = arith.muli %arg1, %mul3A : i32
    %add3A = arith.addi %mul3A_0, %arg0 : i32
    "tpu.region"() ({
      %run_scoped3A = tpu.sem_alloc : memref<!tpu.dma_semaphore, #tpu.memory_space<semaphore_mem>>
      tpu.enqueue_dma source(%arg3 : memref<64x16xi32, #tpu.memory_space<hbm>>) target(%arg5 : memref<64x16xi32, #tpu.memory_space<vmem>>) target_semaphore(%run_scoped3A : memref<!tpu.dma_semaphore, #tpu.memory_space<semaphore_mem>>)
      tpu.wait_dma2 semaphore(%run_scoped3A : memref<!tpu.dma_semaphore, #tpu.memory_space<semaphore_mem>>) src(%arg3 : memref<64x16xi32, #tpu.memory_space<hbm>>) dst(%arg5 : memref<64x16xi32, #tpu.memory_space<vmem>>)
      tpu.yield
    }) : () -> ()
    %mul3A_1 = arith.constant 2 : i32
    %mul3A_2 = arith.muli %add3A, %mul3A_1 : i32
    %add3A_3 = arith.constant 0 : i32
    %add3A_4 = arith.addi %mul3A_2, %add3A_3 : i32
    %jit3A = arith.constant 4 : i32
    %div3A = arith.divsi %add3A_4, %jit3A : i32
    %sign3A = arith.constant 0 : i32
    %sign3A_5 = arith.cmpi sgt, %add3A_4, %sign3A : i32
    %sign3A_6 = arith.extui %sign3A_5 : i1 to i32
    %sign3A_7 = arith.constant 0 : i32
    %sign3A_8 = arith.cmpi slt, %add3A_4, %sign3A_7 : i32
    %sign3A_9 = arith.extui %sign3A_8 : i1 to i32
    %sign3A_10 = arith.subi %sign3A_6, %sign3A_9 : i32
    %sign3A_11 = arith.constant 0 : i32
    %sign3A_12 = arith.cmpi sgt, %jit3A, %sign3A_11 : i32
    %sign3A_13 = arith.extui %sign3A_12 : i1 to i32
    %sign3A_14 = arith.constant 0 : i32
    %sign3A_15 = arith.cmpi slt, %jit3A, %sign3A_14 : i32
    %sign3A_16 = arith.extui %sign3A_15 : i1 to i32
    %sign3A_17 = arith.subi %sign3A_13, %sign3A_16 : i32
    %ne3A = arith.cmpi ne, %sign3A_10, %sign3A_17 : i32
    %rem3A = arith.remsi %add3A_4, %jit3A : i32
    %ne3A_18 = arith.constant 0 : i32
    %ne3A_19 = arith.cmpi ne, %rem3A, %ne3A_18 : i32
    %and3A = arith.andi %ne3A, %ne3A_19 : i1
    %sub3A = arith.constant 1 : i32
    %sub3A_20 = arith.subi %div3A, %sub3A : i32
    %select_n3A = arith.select %and3A, %sub3A_20, %div3A : i32
    %jit3A_21 = arith.constant 4 : i32
    %eq3A = arith.constant 0 : i32
    %eq3A_22 = arith.cmpi eq, %jit3A_21, %eq3A : i32
    %jit3A_23 = arith.constant 1 : i32
    %select_n3A_24 = arith.select %eq3A_22, %jit3A_23, %jit3A_21 : i32
    %rem3A_25 = arith.remsi %add3A_4, %select_n3A_24 : i32
    %ne3A_26 = arith.constant 0 : i32
    %ne3A_27 = arith.cmpi ne, %rem3A_25, %ne3A_26 : i32
    %lt3A = arith.constant 0 : i32
    %lt3A_28 = arith.cmpi slt, %rem3A_25, %lt3A : i32
    %lt3A_29 = arith.constant 0 : i32
    %lt3A_30 = arith.cmpi slt, %select_n3A_24, %lt3A_29 : i32
    %ne3A_31 = arith.xori %lt3A_28, %lt3A_30 : i1
    %and3A_32 = arith.andi %ne3A_31, %ne3A_27 : i1
    %add3A_33 = arith.addi %rem3A_25, %select_n3A_24 : i32
    %select_n3A_34 = arith.select %and3A_32, %add3A_33, %rem3A_25 : i32
    %get3A = arith.index_cast %add3A_4 : i32 to index
    %get3A_35 = arith.constant 0 : index
    %get3A_36 = tpu.vector_load %arg5[%get3A, %get3A_35] {strides = array<i32>} : memref<64x16xi32, #tpu.memory_space<vmem>>, vector<1x16xi32>,
    %get3A_37 = vector.shape_cast %get3A_36 : vector<1x16xi32> to vector<16xi32>
    %scan3A = arith.constant 0 : i32
    %scan3A_38 = arith.constant 0 : i32
    %scan3A_39 = arith.constant 24 : i32
    %scan3A_40 = arith.addi %scan3A_38, %scan3A_39 : i32
    %scan3A_41 = arith.constant 1 : i32
    %scan3A_42 = scf.for %scan3A_99 = %scan3A_38 to %scan3A_40 step %scan3A_41 iter_args(%scan3A_100 = %scan3A) -> (i32)  : i32 {
      %mul3A_101 = arith.constant 4 : i32
      %mul3A_102 = arith.muli %scan3A_99, %mul3A_101 : i32
      %slice3A = vector.extract_strided_slice %get3A_37 {offsets = [0], sizes = [1], strides = [1]} : vector<16xi32> to vector<1xi32>
      %squeeze3A = vector.extract %slice3A[0] : i32 from vector<1xi32>
      %mul3A_103 = arith.constant 56 : i32
      %mul3A_104 = arith.muli %select_n3A_34, %mul3A_103 : i32
      "tpu.region"() ({
        %run_scoped3A = tpu.sem_alloc : memref<!tpu.dma_semaphore, #tpu.memory_space<semaphore_mem>>
        %dma_start3A = arith.constant 0 : i32
        %dma_start3A_120 = arith.constant 0 : i32
        %dma_start3A_121 = arith.constant 0 : i32
        %dma_start3A_122 = tpu.memref_slice %arg6[%dma_start3A, %dma_start3A_120, %dma_start3A_121] : memref<4x56x224xf32, #tpu.memory_space<vmem>> -> memref<4x56x56xf32, #tpu.memory_space<vmem>>
        %dma_start3A_123 = arith.constant 0 : i32
        %dma_start3A_124 = tpu.memref_slice %arg2[%squeeze3A, %mul3A_102, %mul3A_104, %dma_start3A_123] : memref<16x96x224x224xf32, #tpu.memory_space<hbm>> -> memref<1x4x56x56xf32, #tpu.memory_space<hbm>>
        %dma_start3A_125 = tpu.memref_squeeze %dma_start3A_124 : memref<1x4x56x56xf32, #tpu.memory_space<hbm>> -> memref<4x56x56xf32, #tpu.memory_space<hbm>>
        %dma_start3A_126 = arith.constant 0 : i32
        %dma_start3A_127 = arith.constant 0 : i32
        %dma_start3A_128 = arith.constant 0 : i32
        %dma_start3A_129 = tpu.memref_slice %arg6[%dma_start3A_126, %dma_start3A_127, %dma_start3A_128] : memref<4x56x224xf32, #tpu.memory_space<vmem>> -> memref<4x56x56xf32, #tpu.memory_space<vmem>>
        %dma_start3A_130 = arith.constant 0 : i32
        %dma_start3A_131 = tpu.memref_slice %arg2[%squeeze3A, %mul3A_102, %mul3A_104, %dma_start3A_130] : memref<16x96x224x224xf32, #tpu.memory_space<hbm>> -> memref<1x4x56x56xf32, #tpu.memory_space<hbm>>
        %dma_start3A_132 = tpu.memref_squeeze %dma_start3A_131 : memref<1x4x56x56xf32, #tpu.memory_space<hbm>> -> memref<4x56x56xf32, #tpu.memory_space<hbm>>
        tpu.enqueue_dma source(%dma_start3A_132 : memref<4x56x56xf32, #tpu.memory_space<hbm>>) target(%dma_start3A_129 : memref<4x56x56xf32, #tpu.memory_space<vmem>>) target_semaphore(%run_scoped3A : memref<!tpu.dma_semaphore, #tpu.memory_space<semaphore_mem>>)
        %dma_wait3A = arith.constant 0 : i32
        %dma_wait3A_133 = arith.constant 0 : i32
        %dma_wait3A_134 = arith.constant 0 : i32
        %dma_wait3A_135 = tpu.memref_slice %arg6[%dma_wait3A, %dma_wait3A_133, %dma_wait3A_134] : memref<4x56x224xf32, #tpu.memory_space<vmem>> -> memref<4x56x56xf32, #tpu.memory_space<vmem>>
        %dma_wait3A_136 = arith.constant 0 : i32
        %dma_wait3A_137 = tpu.memref_slice %arg2[%squeeze3A, %mul3A_102, %mul3A_104, %dma_wait3A_136] : memref<16x96x224x224xf32, #tpu.memory_space<hbm>> -> memref<1x4x56x56xf32, #tpu.memory_space<hbm>>
        %dma_wait3A_138 = tpu.memref_squeeze %dma_wait3A_137 : memref<1x4x56x56xf32, #tpu.memory_space<hbm>> -> memref<4x56x56xf32, #tpu.memory_space<hbm>>
        %dma_wait3A_139 = arith.constant 0 : i32
        %dma_wait3A_140 = arith.constant 0 : i32
        %dma_wait3A_141 = arith.constant 0 : i32
        %dma_wait3A_142 = tpu.memref_slice %arg6[%dma_wait3A_139, %dma_wait3A_140, %dma_wait3A_141] : memref<4x56x224xf32, #tpu.memory_space<vmem>> -> memref<4x56x56xf32, #tpu.memory_space<vmem>>
        %dma_wait3A_143 = arith.constant 0 : i32
        %dma_wait3A_144 = tpu.memref_slice %arg2[%squeeze3A, %mul3A_102, %mul3A_104, %dma_wait3A_143] : memref<16x96x224x224xf32, #tpu.memory_space<hbm>> -> memref<1x4x56x56xf32, #tpu.memory_space<hbm>>
        %dma_wait3A_145 = tpu.memref_squeeze %dma_wait3A_144 : memref<1x4x56x56xf32, #tpu.memory_space<hbm>> -> memref<4x56x56xf32, #tpu.memory_space<hbm>>
        tpu.wait_dma2 semaphore(%run_scoped3A : memref<!tpu.dma_semaphore, #tpu.memory_space<semaphore_mem>>) src(%dma_wait3A_145 : memref<4x56x56xf32, #tpu.memory_space<hbm>>) dst(%dma_wait3A_142 : memref<4x56x56xf32, #tpu.memory_space<vmem>>)
        tpu.yield
      }) : () -> ()
      %slice3A_105 = vector.extract_strided_slice %get3A_37 {offsets = [1], sizes = [1], strides = [1]} : vector<16xi32> to vector<1xi32>
      %squeeze3A_106 = vector.extract %slice3A_105[0] : i32 from vector<1xi32>
      %mul3A_107 = arith.constant 56 : i32
      %mul3A_108 = arith.muli %select_n3A_34, %mul3A_107 : i32
      "tpu.region"() ({
        %run_scoped3A = tpu.sem_alloc : memref<!tpu.dma_semaphore, #tpu.memory_space<semaphore_mem>>
        %dma_start3A = arith.constant 0 : i32
        %dma_start3A_120 = arith.constant 0 : i32
        %dma_start3A_121 = arith.constant 56 : i32
        %dma_start3A_122 = tpu.memref_slice %arg6[%dma_start3A, %dma_start3A_120, %dma_start3A_121] : memref<4x56x224xf32, #tpu.memory_space<vmem>> -> memref<4x56x56xf32, #tpu.memory_space<vmem>>
        %dma_start3A_123 = arith.constant 56 : i32
        %dma_start3A_124 = tpu.memref_slice %arg2[%squeeze3A_106, %mul3A_102, %mul3A_108, %dma_start3A_123] : memref<16x96x224x224xf32, #tpu.memory_space<hbm>> -> memref<1x4x56x56xf32, #tpu.memory_space<hbm>>
        %dma_start3A_125 = tpu.memref_squeeze %dma_start3A_124 : memref<1x4x56x56xf32, #tpu.memory_space<hbm>> -> memref<4x56x56xf32, #tpu.memory_space<hbm>>
        %dma_start3A_126 = arith.constant 0 : i32
        %dma_start3A_127 = arith.constant 0 : i32
        %dma_start3A_128 = arith.constant 56 : i32
        %dma_start3A_129 = tpu.memref_slice %arg6[%dma_start3A_126, %dma_start3A_127, %dma_start3A_128] : memref<4x56x224xf32, #tpu.memory_space<vmem>> -> memref<4x56x56xf32, #tpu.memory_space<vmem>>
        %dma_start3A_130 = arith.constant 56 : i32
        %dma_start3A_131 = tpu.memref_slice %arg2[%squeeze3A_106, %mul3A_102, %mul3A_108, %dma_start3A_130] : memref<16x96x224x224xf32, #tpu.memory_space<hbm>> -> memref<1x4x56x56xf32, #tpu.memory_space<hbm>>
        %dma_start3A_132 = tpu.memref_squeeze %dma_start3A_131 : memref<1x4x56x56xf32, #tpu.memory_space<hbm>> -> memref<4x56x56xf32, #tpu.memory_space<hbm>>
        tpu.enqueue_dma source(%dma_start3A_132 : memref<4x56x56xf32, #tpu.memory_space<hbm>>) target(%dma_start3A_129 : memref<4x56x56xf32, #tpu.memory_space<vmem>>) target_semaphore(%run_scoped3A : memref<!tpu.dma_semaphore, #tpu.memory_space<semaphore_mem>>)
        %dma_wait3A = arith.constant 0 : i32
        %dma_wait3A_133 = arith.constant 0 : i32
        %dma_wait3A_134 = arith.constant 56 : i32
        %dma_wait3A_135 = tpu.memref_slice %arg6[%dma_wait3A, %dma_wait3A_133, %dma_wait3A_134] : memref<4x56x224xf32, #tpu.memory_space<vmem>> -> memref<4x56x56xf32, #tpu.memory_space<vmem>>
        %dma_wait3A_136 = arith.constant 56 : i32
        %dma_wait3A_137 = tpu.memref_slice %arg2[%squeeze3A_106, %mul3A_102, %mul3A_108, %dma_wait3A_136] : memref<16x96x224x224xf32, #tpu.memory_space<hbm>> -> memref<1x4x56x56xf32, #tpu.memory_space<hbm>>
        %dma_wait3A_138 = tpu.memref_squeeze %dma_wait3A_137 : memref<1x4x56x56xf32, #tpu.memory_space<hbm>> -> memref<4x56x56xf32, #tpu.memory_space<hbm>>
        %dma_wait3A_139 = arith.constant 0 : i32
        %dma_wait3A_140 = arith.constant 0 : i32
        %dma_wait3A_141 = arith.constant 56 : i32
        %dma_wait3A_142 = tpu.memref_slice %arg6[%dma_wait3A_139, %dma_wait3A_140, %dma_wait3A_141] : memref<4x56x224xf32, #tpu.memory_space<vmem>> -> memref<4x56x56xf32, #tpu.memory_space<vmem>>
        %dma_wait3A_143 = arith.constant 56 : i32
        %dma_wait3A_144 = tpu.memref_slice %arg2[%squeeze3A_106, %mul3A_102, %mul3A_108, %dma_wait3A_143] : memref<16x96x224x224xf32, #tpu.memory_space<hbm>> -> memref<1x4x56x56xf32, #tpu.memory_space<hbm>>
        %dma_wait3A_145 = tpu.memref_squeeze %dma_wait3A_144 : memref<1x4x56x56xf32, #tpu.memory_space<hbm>> -> memref<4x56x56xf32, #tpu.memory_space<hbm>>
        tpu.wait_dma2 semaphore(%run_scoped3A : memref<!tpu.dma_semaphore, #tpu.memory_space<semaphore_mem>>) src(%dma_wait3A_145 : memref<4x56x56xf32, #tpu.memory_space<hbm>>) dst(%dma_wait3A_142 : memref<4x56x56xf32, #tpu.memory_space<vmem>>)
        tpu.yield
      }) : () -> ()
      %slice3A_109 = vector.extract_strided_slice %get3A_37 {offsets = [2], sizes = [1], strides = [1]} : vector<16xi32> to vector<1xi32>
      %squeeze3A_110 = vector.extract %slice3A_109[0] : i32 from vector<1xi32>
      %mul3A_111 = arith.constant 56 : i32
      %mul3A_112 = arith.muli %select_n3A_34, %mul3A_111 : i32
      "tpu.region"() ({
        %run_scoped3A = tpu.sem_alloc : memref<!tpu.dma_semaphore, #tpu.memory_space<semaphore_mem>>
        %dma_start3A = arith.constant 0 : i32
        %dma_start3A_120 = arith.constant 0 : i32
        %dma_start3A_121 = arith.constant 112 : i32
        %dma_start3A_122 = tpu.memref_slice %arg6[%dma_start3A, %dma_start3A_120, %dma_start3A_121] : memref<4x56x224xf32, #tpu.memory_space<vmem>> -> memref<4x56x56xf32, #tpu.memory_space<vmem>>
        %dma_start3A_123 = arith.constant 112 : i32
        %dma_start3A_124 = tpu.memref_slice %arg2[%squeeze3A_110, %mul3A_102, %mul3A_112, %dma_start3A_123] : memref<16x96x224x224xf32, #tpu.memory_space<hbm>> -> memref<1x4x56x56xf32, #tpu.memory_space<hbm>>
        %dma_start3A_125 = tpu.memref_squeeze %dma_start3A_124 : memref<1x4x56x56xf32, #tpu.memory_space<hbm>> -> memref<4x56x56xf32, #tpu.memory_space<hbm>>
        %dma_start3A_126 = arith.constant 0 : i32
        %dma_start3A_127 = arith.constant 0 : i32
        %dma_start3A_128 = arith.constant 112 : i32
        %dma_start3A_129 = tpu.memref_slice %arg6[%dma_start3A_126, %dma_start3A_127, %dma_start3A_128] : memref<4x56x224xf32, #tpu.memory_space<vmem>> -> memref<4x56x56xf32, #tpu.memory_space<vmem>>
        %dma_start3A_130 = arith.constant 112 : i32
        %dma_start3A_131 = tpu.memref_slice %arg2[%squeeze3A_110, %mul3A_102, %mul3A_112, %dma_start3A_130] : memref<16x96x224x224xf32, #tpu.memory_space<hbm>> -> memref<1x4x56x56xf32, #tpu.memory_space<hbm>>
        %dma_start3A_132 = tpu.memref_squeeze %dma_start3A_131 : memref<1x4x56x56xf32, #tpu.memory_space<hbm>> -> memref<4x56x56xf32, #tpu.memory_space<hbm>>
        tpu.enqueue_dma source(%dma_start3A_132 : memref<4x56x56xf32, #tpu.memory_space<hbm>>) target(%dma_start3A_129 : memref<4x56x56xf32, #tpu.memory_space<vmem>>) target_semaphore(%run_scoped3A : memref<!tpu.dma_semaphore, #tpu.memory_space<semaphore_mem>>)
        %dma_wait3A = arith.constant 0 : i32
        %dma_wait3A_133 = arith.constant 0 : i32
        %dma_wait3A_134 = arith.constant 112 : i32
        %dma_wait3A_135 = tpu.memref_slice %arg6[%dma_wait3A, %dma_wait3A_133, %dma_wait3A_134] : memref<4x56x224xf32, #tpu.memory_space<vmem>> -> memref<4x56x56xf32, #tpu.memory_space<vmem>>
        %dma_wait3A_136 = arith.constant 112 : i32
        %dma_wait3A_137 = tpu.memref_slice %arg2[%squeeze3A_110, %mul3A_102, %mul3A_112, %dma_wait3A_136] : memref<16x96x224x224xf32, #tpu.memory_space<hbm>> -> memref<1x4x56x56xf32, #tpu.memory_space<hbm>>
        %dma_wait3A_138 = tpu.memref_squeeze %dma_wait3A_137 : memref<1x4x56x56xf32, #tpu.memory_space<hbm>> -> memref<4x56x56xf32, #tpu.memory_space<hbm>>
        %dma_wait3A_139 = arith.constant 0 : i32
        %dma_wait3A_140 = arith.constant 0 : i32
        %dma_wait3A_141 = arith.constant 112 : i32
        %dma_wait3A_142 = tpu.memref_slice %arg6[%dma_wait3A_139, %dma_wait3A_140, %dma_wait3A_141] : memref<4x56x224xf32, #tpu.memory_space<vmem>> -> memref<4x56x56xf32, #tpu.memory_space<vmem>>
        %dma_wait3A_143 = arith.constant 112 : i32
        %dma_wait3A_144 = tpu.memref_slice %arg2[%squeeze3A_110, %mul3A_102, %mul3A_112, %dma_wait3A_143] : memref<16x96x224x224xf32, #tpu.memory_space<hbm>> -> memref<1x4x56x56xf32, #tpu.memory_space<hbm>>
        %dma_wait3A_145 = tpu.memref_squeeze %dma_wait3A_144 : memref<1x4x56x56xf32, #tpu.memory_space<hbm>> -> memref<4x56x56xf32, #tpu.memory_space<hbm>>
        tpu.wait_dma2 semaphore(%run_scoped3A : memref<!tpu.dma_semaphore, #tpu.memory_space<semaphore_mem>>) src(%dma_wait3A_145 : memref<4x56x56xf32, #tpu.memory_space<hbm>>) dst(%dma_wait3A_142 : memref<4x56x56xf32, #tpu.memory_space<vmem>>)
        tpu.yield
      }) : () -> ()
      %slice3A_113 = vector.extract_strided_slice %get3A_37 {offsets = [3], sizes = [1], strides = [1]} : vector<16xi32> to vector<1xi32>
      %squeeze3A_114 = vector.extract %slice3A_113[0] : i32 from vector<1xi32>
      %mul3A_115 = arith.constant 56 : i32
      %mul3A_116 = arith.muli %select_n3A_34, %mul3A_115 : i32
      "tpu.region"() ({
        %run_scoped3A = tpu.sem_alloc : memref<!tpu.dma_semaphore, #tpu.memory_space<semaphore_mem>>
        %dma_start3A = arith.constant 0 : i32
        %dma_start3A_120 = arith.constant 0 : i32
        %dma_start3A_121 = arith.constant 168 : i32
        %dma_start3A_122 = tpu.memref_slice %arg6[%dma_start3A, %dma_start3A_120, %dma_start3A_121] : memref<4x56x224xf32, #tpu.memory_space<vmem>> -> memref<4x56x56xf32, #tpu.memory_space<vmem>>
        %dma_start3A_123 = arith.constant 168 : i32
        %dma_start3A_124 = tpu.memref_slice %arg2[%squeeze3A_114, %mul3A_102, %mul3A_116, %dma_start3A_123] : memref<16x96x224x224xf32, #tpu.memory_space<hbm>> -> memref<1x4x56x56xf32, #tpu.memory_space<hbm>>
        %dma_start3A_125 = tpu.memref_squeeze %dma_start3A_124 : memref<1x4x56x56xf32, #tpu.memory_space<hbm>> -> memref<4x56x56xf32, #tpu.memory_space<hbm>>
        %dma_start3A_126 = arith.constant 0 : i32
        %dma_start3A_127 = arith.constant 0 : i32
        %dma_start3A_128 = arith.constant 168 : i32
        %dma_start3A_129 = tpu.memref_slice %arg6[%dma_start3A_126, %dma_start3A_127, %dma_start3A_128] : memref<4x56x224xf32, #tpu.memory_space<vmem>> -> memref<4x56x56xf32, #tpu.memory_space<vmem>>
        %dma_start3A_130 = arith.constant 168 : i32
        %dma_start3A_131 = tpu.memref_slice %arg2[%squeeze3A_114, %mul3A_102, %mul3A_116, %dma_start3A_130] : memref<16x96x224x224xf32, #tpu.memory_space<hbm>> -> memref<1x4x56x56xf32, #tpu.memory_space<hbm>>
        %dma_start3A_132 = tpu.memref_squeeze %dma_start3A_131 : memref<1x4x56x56xf32, #tpu.memory_space<hbm>> -> memref<4x56x56xf32, #tpu.memory_space<hbm>>
        tpu.enqueue_dma source(%dma_start3A_132 : memref<4x56x56xf32, #tpu.memory_space<hbm>>) target(%dma_start3A_129 : memref<4x56x56xf32, #tpu.memory_space<vmem>>) target_semaphore(%run_scoped3A : memref<!tpu.dma_semaphore, #tpu.memory_space<semaphore_mem>>)
        %dma_wait3A = arith.constant 0 : i32
        %dma_wait3A_133 = arith.constant 0 : i32
        %dma_wait3A_134 = arith.constant 168 : i32
        %dma_wait3A_135 = tpu.memref_slice %arg6[%dma_wait3A, %dma_wait3A_133, %dma_wait3A_134] : memref<4x56x224xf32, #tpu.memory_space<vmem>> -> memref<4x56x56xf32, #tpu.memory_space<vmem>>
        %dma_wait3A_136 = arith.constant 168 : i32
        %dma_wait3A_137 = tpu.memref_slice %arg2[%squeeze3A_114, %mul3A_102, %mul3A_116, %dma_wait3A_136] : memref<16x96x224x224xf32, #tpu.memory_space<hbm>> -> memref<1x4x56x56xf32, #tpu.memory_space<hbm>>
        %dma_wait3A_138 = tpu.memref_squeeze %dma_wait3A_137 : memref<1x4x56x56xf32, #tpu.memory_space<hbm>> -> memref<4x56x56xf32, #tpu.memory_space<hbm>>
        %dma_wait3A_139 = arith.constant 0 : i32
        %dma_wait3A_140 = arith.constant 0 : i32
        %dma_wait3A_141 = arith.constant 168 : i32
        %dma_wait3A_142 = tpu.memref_slice %arg6[%dma_wait3A_139, %dma_wait3A_140, %dma_wait3A_141] : memref<4x56x224xf32, #tpu.memory_space<vmem>> -> memref<4x56x56xf32, #tpu.memory_space<vmem>>
        %dma_wait3A_143 = arith.constant 168 : i32
        %dma_wait3A_144 = tpu.memref_slice %arg2[%squeeze3A_114, %mul3A_102, %mul3A_116, %dma_wait3A_143] : memref<16x96x224x224xf32, #tpu.memory_space<hbm>> -> memref<1x4x56x56xf32, #tpu.memory_space<hbm>>
        %dma_wait3A_145 = tpu.memref_squeeze %dma_wait3A_144 : memref<1x4x56x56xf32, #tpu.memory_space<hbm>> -> memref<4x56x56xf32, #tpu.memory_space<hbm>>
        tpu.wait_dma2 semaphore(%run_scoped3A : memref<!tpu.dma_semaphore, #tpu.memory_space<semaphore_mem>>) src(%dma_wait3A_145 : memref<4x56x56xf32, #tpu.memory_space<hbm>>) dst(%dma_wait3A_142 : memref<4x56x56xf32, #tpu.memory_space<vmem>>)
        tpu.yield
      }) : () -> ()
      %mul3A_117 = arith.constant 56 : i32
      %mul3A_118 = arith.muli %select_n3A_34, %mul3A_117 : i32
      "tpu.region"() ({
        %run_scoped3A = tpu.sem_alloc : memref<!tpu.dma_semaphore, #tpu.memory_space<semaphore_mem>>
        %dma_start3A = arith.constant 0 : i32
        %dma_start3A_120 = tpu.memref_slice %arg4[%select_n3A, %mul3A_102, %mul3A_118, %dma_start3A] : memref<16x96x224x224xf32, #tpu.memory_space<hbm>> -> memref<1x4x56x224xf32, #tpu.memory_space<hbm>>
        %dma_start3A_121 = tpu.memref_squeeze %dma_start3A_120 : memref<1x4x56x224xf32, #tpu.memory_space<hbm>> -> memref<4x56x224xf32, #tpu.memory_space<hbm>>
        %dma_start3A_122 = arith.constant 0 : i32
        %dma_start3A_123 = tpu.memref_slice %arg4[%select_n3A, %mul3A_102, %mul3A_118, %dma_start3A_122] : memref<16x96x224x224xf32, #tpu.memory_space<hbm>> -> memref<1x4x56x224xf32, #tpu.memory_space<hbm>>
        %dma_start3A_124 = tpu.memref_squeeze %dma_start3A_123 : memref<1x4x56x224xf32, #tpu.memory_space<hbm>> -> memref<4x56x224xf32, #tpu.memory_space<hbm>>
        tpu.enqueue_dma source(%arg6 : memref<4x56x224xf32, #tpu.memory_space<vmem>>) target(%dma_start3A_124 : memref<4x56x224xf32, #tpu.memory_space<hbm>>) target_semaphore(%run_scoped3A : memref<!tpu.dma_semaphore, #tpu.memory_space<semaphore_mem>>)
        %dma_wait3A = arith.constant 0 : i32
        %dma_wait3A_125 = tpu.memref_slice %arg4[%select_n3A, %mul3A_102, %mul3A_118, %dma_wait3A] : memref<16x96x224x224xf32, #tpu.memory_space<hbm>> -> memref<1x4x56x224xf32, #tpu.memory_space<hbm>>
        %dma_wait3A_126 = tpu.memref_squeeze %dma_wait3A_125 : memref<1x4x56x224xf32, #tpu.memory_space<hbm>> -> memref<4x56x224xf32, #tpu.memory_space<hbm>>
        %dma_wait3A_127 = arith.constant 0 : i32
        %dma_wait3A_128 = tpu.memref_slice %arg4[%select_n3A, %mul3A_102, %mul3A_118, %dma_wait3A_127] : memref<16x96x224x224xf32, #tpu.memory_space<hbm>> -> memref<1x4x56x224xf32, #tpu.memory_space<hbm>>
        %dma_wait3A_129 = tpu.memref_squeeze %dma_wait3A_128 : memref<1x4x56x224xf32, #tpu.memory_space<hbm>> -> memref<4x56x224xf32, #tpu.memory_space<hbm>>
        tpu.wait_dma2 semaphore(%run_scoped3A : memref<!tpu.dma_semaphore, #tpu.memory_space<semaphore_mem>>) src(%arg6 : memref<4x56x224xf32, #tpu.memory_space<vmem>>) dst(%dma_wait3A_129 : memref<4x56x224xf32, #tpu.memory_space<hbm>>)
        tpu.yield
      }) : () -> ()
      %scan3A_119 = arith.constant 0 : i32
      scf.yield %scan3A_119 : i32
    }
    %scan3A_43 = arith.constant 24 : i32
    %mul3A_44 = arith.constant 2 : i32
    %mul3A_45 = arith.muli %add3A, %mul3A_44 : i32
    %add3A_46 = arith.constant 1 : i32
    %add3A_47 = arith.addi %mul3A_45, %add3A_46 : i32
    %jit3A_48 = arith.constant 4 : i32
    %div3A_49 = arith.divsi %add3A_47, %jit3A_48 : i32
    %sign3A_50 = arith.constant 0 : i32
    %sign3A_51 = arith.cmpi sgt, %add3A_47, %sign3A_50 : i32
    %sign3A_52 = arith.extui %sign3A_51 : i1 to i32
    %sign3A_53 = arith.constant 0 : i32
    %sign3A_54 = arith.cmpi slt, %add3A_47, %sign3A_53 : i32
    %sign3A_55 = arith.extui %sign3A_54 : i1 to i32
    %sign3A_56 = arith.subi %sign3A_52, %sign3A_55 : i32
    %sign3A_57 = arith.constant 0 : i32
    %sign3A_58 = arith.cmpi sgt, %jit3A_48, %sign3A_57 : i32
    %sign3A_59 = arith.extui %sign3A_58 : i1 to i32
    %sign3A_60 = arith.constant 0 : i32
    %sign3A_61 = arith.cmpi slt, %jit3A_48, %sign3A_60 : i32
    %sign3A_62 = arith.extui %sign3A_61 : i1 to i32
    %sign3A_63 = arith.subi %sign3A_59, %sign3A_62 : i32
    %ne3A_64 = arith.cmpi ne, %sign3A_56, %sign3A_63 : i32
    %rem3A_65 = arith.remsi %add3A_47, %jit3A_48 : i32
    %ne3A_66 = arith.constant 0 : i32
    %ne3A_67 = arith.cmpi ne, %rem3A_65, %ne3A_66 : i32
    %and3A_68 = arith.andi %ne3A_64, %ne3A_67 : i1
    %sub3A_69 = arith.constant 1 : i32
    %sub3A_70 = arith.subi %div3A_49, %sub3A_69 : i32
    %select_n3A_71 = arith.select %and3A_68, %sub3A_70, %div3A_49 : i32
    %jit3A_72 = arith.constant 4 : i32
    %eq3A_73 = arith.constant 0 : i32
    %eq3A_74 = arith.cmpi eq, %jit3A_72, %eq3A_73 : i32
    %jit3A_75 = arith.constant 1 : i32
    %select_n3A_76 = arith.select %eq3A_74, %jit3A_75, %jit3A_72 : i32
    %rem3A_77 = arith.remsi %add3A_47, %select_n3A_76 : i32
    %ne3A_78 = arith.constant 0 : i32
    %ne3A_79 = arith.cmpi ne, %rem3A_77, %ne3A_78 : i32
    %lt3A_80 = arith.constant 0 : i32
    %lt3A_81 = arith.cmpi slt, %rem3A_77, %lt3A_80 : i32
    %lt3A_82 = arith.constant 0 : i32
    %lt3A_83 = arith.cmpi slt, %select_n3A_76, %lt3A_82 : i32
    %ne3A_84 = arith.xori %lt3A_81, %lt3A_83 : i1
    %and3A_85 = arith.andi %ne3A_84, %ne3A_79 : i1
    %add3A_86 = arith.addi %rem3A_77, %select_n3A_76 : i32
    %select_n3A_87 = arith.select %and3A_85, %add3A_86, %rem3A_77 : i32
    %get3A_88 = arith.index_cast %add3A_47 : i32 to index
    %get3A_89 = arith.constant 0 : index
    %get3A_90 = tpu.vector_load %arg5[%get3A_88, %get3A_89] {strides = array<i32>} : memref<64x16xi32, #tpu.memory_space<vmem>>, vector<1x16xi32>,
    %get3A_91 = vector.shape_cast %get3A_90 : vector<1x16xi32> to vector<16xi32>
    %scan3A_92 = arith.constant 0 : i32
    %scan3A_93 = arith.constant 0 : i32
    %scan3A_94 = arith.constant 24 : i32
    %scan3A_95 = arith.addi %scan3A_93, %scan3A_94 : i32
    %scan3A_96 = arith.constant 1 : i32
    %scan3A_97 = scf.for %scan3A_99 = %scan3A_93 to %scan3A_95 step %scan3A_96 iter_args(%scan3A_100 = %scan3A_92) -> (i32)  : i32 {
      %mul3A_101 = arith.constant 4 : i32
      %mul3A_102 = arith.muli %scan3A_99, %mul3A_101 : i32
      %slice3A = vector.extract_strided_slice %get3A_91 {offsets = [0], sizes = [1], strides = [1]} : vector<16xi32> to vector<1xi32>
      %squeeze3A = vector.extract %slice3A[0] : i32 from vector<1xi32>
      %mul3A_103 = arith.constant 56 : i32
      %mul3A_104 = arith.muli %select_n3A_87, %mul3A_103 : i32
      "tpu.region"() ({
        %run_scoped3A = tpu.sem_alloc : memref<!tpu.dma_semaphore, #tpu.memory_space<semaphore_mem>>
        %dma_start3A = arith.constant 0 : i32
        %dma_start3A_120 = arith.constant 0 : i32
        %dma_start3A_121 = arith.constant 0 : i32
        %dma_start3A_122 = tpu.memref_slice %arg6[%dma_start3A, %dma_start3A_120, %dma_start3A_121] : memref<4x56x224xf32, #tpu.memory_space<vmem>> -> memref<4x56x56xf32, #tpu.memory_space<vmem>>
        %dma_start3A_123 = arith.constant 0 : i32
        %dma_start3A_124 = tpu.memref_slice %arg2[%squeeze3A, %mul3A_102, %mul3A_104, %dma_start3A_123] : memref<16x96x224x224xf32, #tpu.memory_space<hbm>> -> memref<1x4x56x56xf32, #tpu.memory_space<hbm>>
        %dma_start3A_125 = tpu.memref_squeeze %dma_start3A_124 : memref<1x4x56x56xf32, #tpu.memory_space<hbm>> -> memref<4x56x56xf32, #tpu.memory_space<hbm>>
        %dma_start3A_126 = arith.constant 0 : i32
        %dma_start3A_127 = arith.constant 0 : i32
        %dma_start3A_128 = arith.constant 0 : i32
        %dma_start3A_129 = tpu.memref_slice %arg6[%dma_start3A_126, %dma_start3A_127, %dma_start3A_128] : memref<4x56x224xf32, #tpu.memory_space<vmem>> -> memref<4x56x56xf32, #tpu.memory_space<vmem>>
        %dma_start3A_130 = arith.constant 0 : i32
        %dma_start3A_131 = tpu.memref_slice %arg2[%squeeze3A, %mul3A_102, %mul3A_104, %dma_start3A_130] : memref<16x96x224x224xf32, #tpu.memory_space<hbm>> -> memref<1x4x56x56xf32, #tpu.memory_space<hbm>>
        %dma_start3A_132 = tpu.memref_squeeze %dma_start3A_131 : memref<1x4x56x56xf32, #tpu.memory_space<hbm>> -> memref<4x56x56xf32, #tpu.memory_space<hbm>>
        tpu.enqueue_dma source(%dma_start3A_132 : memref<4x56x56xf32, #tpu.memory_space<hbm>>) target(%dma_start3A_129 : memref<4x56x56xf32, #tpu.memory_space<vmem>>) target_semaphore(%run_scoped3A : memref<!tpu.dma_semaphore, #tpu.memory_space<semaphore_mem>>)
        %dma_wait3A = arith.constant 0 : i32
        %dma_wait3A_133 = arith.constant 0 : i32
        %dma_wait3A_134 = arith.constant 0 : i32
        %dma_wait3A_135 = tpu.memref_slice %arg6[%dma_wait3A, %dma_wait3A_133, %dma_wait3A_134] : memref<4x56x224xf32, #tpu.memory_space<vmem>> -> memref<4x56x56xf32, #tpu.memory_space<vmem>>
        %dma_wait3A_136 = arith.constant 0 : i32
        %dma_wait3A_137 = tpu.memref_slice %arg2[%squeeze3A, %mul3A_102, %mul3A_104, %dma_wait3A_136] : memref<16x96x224x224xf32, #tpu.memory_space<hbm>> -> memref<1x4x56x56xf32, #tpu.memory_space<hbm>>
        %dma_wait3A_138 = tpu.memref_squeeze %dma_wait3A_137 : memref<1x4x56x56xf32, #tpu.memory_space<hbm>> -> memref<4x56x56xf32, #tpu.memory_space<hbm>>
        %dma_wait3A_139 = arith.constant 0 : i32
        %dma_wait3A_140 = arith.constant 0 : i32
        %dma_wait3A_141 = arith.constant 0 : i32
        %dma_wait3A_142 = tpu.memref_slice %arg6[%dma_wait3A_139, %dma_wait3A_140, %dma_wait3A_141] : memref<4x56x224xf32, #tpu.memory_space<vmem>> -> memref<4x56x56xf32, #tpu.memory_space<vmem>>
        %dma_wait3A_143 = arith.constant 0 : i32
        %dma_wait3A_144 = tpu.memref_slice %arg2[%squeeze3A, %mul3A_102, %mul3A_104, %dma_wait3A_143] : memref<16x96x224x224xf32, #tpu.memory_space<hbm>> -> memref<1x4x56x56xf32, #tpu.memory_space<hbm>>
        %dma_wait3A_145 = tpu.memref_squeeze %dma_wait3A_144 : memref<1x4x56x56xf32, #tpu.memory_space<hbm>> -> memref<4x56x56xf32, #tpu.memory_space<hbm>>
        tpu.wait_dma2 semaphore(%run_scoped3A : memref<!tpu.dma_semaphore, #tpu.memory_space<semaphore_mem>>) src(%dma_wait3A_145 : memref<4x56x56xf32, #tpu.memory_space<hbm>>) dst(%dma_wait3A_142 : memref<4x56x56xf32, #tpu.memory_space<vmem>>)
        tpu.yield
      }) : () -> ()
      %slice3A_105 = vector.extract_strided_slice %get3A_91 {offsets = [1], sizes = [1], strides = [1]} : vector<16xi32> to vector<1xi32>
      %squeeze3A_106 = vector.extract %slice3A_105[0] : i32 from vector<1xi32>
      %mul3A_107 = arith.constant 56 : i32
      %mul3A_108 = arith.muli %select_n3A_87, %mul3A_107 : i32
      "tpu.region"() ({
        %run_scoped3A = tpu.sem_alloc : memref<!tpu.dma_semaphore, #tpu.memory_space<semaphore_mem>>
        %dma_start3A = arith.constant 0 : i32
        %dma_start3A_120 = arith.constant 0 : i32
        %dma_start3A_121 = arith.constant 56 : i32
        %dma_start3A_122 = tpu.memref_slice %arg6[%dma_start3A, %dma_start3A_120, %dma_start3A_121] : memref<4x56x224xf32, #tpu.memory_space<vmem>> -> memref<4x56x56xf32, #tpu.memory_space<vmem>>
        %dma_start3A_123 = arith.constant 56 : i32
        %dma_start3A_124 = tpu.memref_slice %arg2[%squeeze3A_106, %mul3A_102, %mul3A_108, %dma_start3A_123] : memref<16x96x224x224xf32, #tpu.memory_space<hbm>> -> memref<1x4x56x56xf32, #tpu.memory_space<hbm>>
        %dma_start3A_125 = tpu.memref_squeeze %dma_start3A_124 : memref<1x4x56x56xf32, #tpu.memory_space<hbm>> -> memref<4x56x56xf32, #tpu.memory_space<hbm>>
        %dma_start3A_126 = arith.constant 0 : i32
        %dma_start3A_127 = arith.constant 0 : i32
        %dma_start3A_128 = arith.constant 56 : i32
        %dma_start3A_129 = tpu.memref_slice %arg6[%dma_start3A_126, %dma_start3A_127, %dma_start3A_128] : memref<4x56x224xf32, #tpu.memory_space<vmem>> -> memref<4x56x56xf32, #tpu.memory_space<vmem>>
        %dma_start3A_130 = arith.constant 56 : i32
        %dma_start3A_131 = tpu.memref_slice %arg2[%squeeze3A_106, %mul3A_102, %mul3A_108, %dma_start3A_130] : memref<16x96x224x224xf32, #tpu.memory_space<hbm>> -> memref<1x4x56x56xf32, #tpu.memory_space<hbm>>
        %dma_start3A_132 = tpu.memref_squeeze %dma_start3A_131 : memref<1x4x56x56xf32, #tpu.memory_space<hbm>> -> memref<4x56x56xf32, #tpu.memory_space<hbm>>
        tpu.enqueue_dma source(%dma_start3A_132 : memref<4x56x56xf32, #tpu.memory_space<hbm>>) target(%dma_start3A_129 : memref<4x56x56xf32, #tpu.memory_space<vmem>>) target_semaphore(%run_scoped3A : memref<!tpu.dma_semaphore, #tpu.memory_space<semaphore_mem>>)
        %dma_wait3A = arith.constant 0 : i32
        %dma_wait3A_133 = arith.constant 0 : i32
        %dma_wait3A_134 = arith.constant 56 : i32
        %dma_wait3A_135 = tpu.memref_slice %arg6[%dma_wait3A, %dma_wait3A_133, %dma_wait3A_134] : memref<4x56x224xf32, #tpu.memory_space<vmem>> -> memref<4x56x56xf32, #tpu.memory_space<vmem>>
        %dma_wait3A_136 = arith.constant 56 : i32
        %dma_wait3A_137 = tpu.memref_slice %arg2[%squeeze3A_106, %mul3A_102, %mul3A_108, %dma_wait3A_136] : memref<16x96x224x224xf32, #tpu.memory_space<hbm>> -> memref<1x4x56x56xf32, #tpu.memory_space<hbm>>
        %dma_wait3A_138 = tpu.memref_squeeze %dma_wait3A_137 : memref<1x4x56x56xf32, #tpu.memory_space<hbm>> -> memref<4x56x56xf32, #tpu.memory_space<hbm>>
        %dma_wait3A_139 = arith.constant 0 : i32
        %dma_wait3A_140 = arith.constant 0 : i32
        %dma_wait3A_141 = arith.constant 56 : i32
        %dma_wait3A_142 = tpu.memref_slice %arg6[%dma_wait3A_139, %dma_wait3A_140, %dma_wait3A_141] : memref<4x56x224xf32, #tpu.memory_space<vmem>> -> memref<4x56x56xf32, #tpu.memory_space<vmem>>
        %dma_wait3A_143 = arith.constant 56 : i32
        %dma_wait3A_144 = tpu.memref_slice %arg2[%squeeze3A_106, %mul3A_102, %mul3A_108, %dma_wait3A_143] : memref<16x96x224x224xf32, #tpu.memory_space<hbm>> -> memref<1x4x56x56xf32, #tpu.memory_space<hbm>>
        %dma_wait3A_145 = tpu.memref_squeeze %dma_wait3A_144 : memref<1x4x56x56xf32, #tpu.memory_space<hbm>> -> memref<4x56x56xf32, #tpu.memory_space<hbm>>
        tpu.wait_dma2 semaphore(%run_scoped3A : memref<!tpu.dma_semaphore, #tpu.memory_space<semaphore_mem>>) src(%dma_wait3A_145 : memref<4x56x56xf32, #tpu.memory_space<hbm>>) dst(%dma_wait3A_142 : memref<4x56x56xf32, #tpu.memory_space<vmem>>)
        tpu.yield
      }) : () -> ()
      %slice3A_109 = vector.extract_strided_slice %get3A_91 {offsets = [2], sizes = [1], strides = [1]} : vector<16xi32> to vector<1xi32>
      %squeeze3A_110 = vector.extract %slice3A_109[0] : i32 from vector<1xi32>
      %mul3A_111 = arith.constant 56 : i32
      %mul3A_112 = arith.muli %select_n3A_87, %mul3A_111 : i32
      "tpu.region"() ({
        %run_scoped3A = tpu.sem_alloc : memref<!tpu.dma_semaphore, #tpu.memory_space<semaphore_mem>>
        %dma_start3A = arith.constant 0 : i32
        %dma_start3A_120 = arith.constant 0 : i32
        %dma_start3A_121 = arith.constant 112 : i32
        %dma_start3A_122 = tpu.memref_slice %arg6[%dma_start3A, %dma_start3A_120, %dma_start3A_121] : memref<4x56x224xf32, #tpu.memory_space<vmem>> -> memref<4x56x56xf32, #tpu.memory_space<vmem>>
        %dma_start3A_123 = arith.constant 112 : i32
        %dma_start3A_124 = tpu.memref_slice %arg2[%squeeze3A_110, %mul3A_102, %mul3A_112, %dma_start3A_123] : memref<16x96x224x224xf32, #tpu.memory_space<hbm>> -> memref<1x4x56x56xf32, #tpu.memory_space<hbm>>
        %dma_start3A_125 = tpu.memref_squeeze %dma_start3A_124 : memref<1x4x56x56xf32, #tpu.memory_space<hbm>> -> memref<4x56x56xf32, #tpu.memory_space<hbm>>
        %dma_start3A_126 = arith.constant 0 : i32
        %dma_start3A_127 = arith.constant 0 : i32
        %dma_start3A_128 = arith.constant 112 : i32
        %dma_start3A_129 = tpu.memref_slice %arg6[%dma_start3A_126, %dma_start3A_127, %dma_start3A_128] : memref<4x56x224xf32, #tpu.memory_space<vmem>> -> memref<4x56x56xf32, #tpu.memory_space<vmem>>
        %dma_start3A_130 = arith.constant 112 : i32
        %dma_start3A_131 = tpu.memref_slice %arg2[%squeeze3A_110, %mul3A_102, %mul3A_112, %dma_start3A_130] : memref<16x96x224x224xf32, #tpu.memory_space<hbm>> -> memref<1x4x56x56xf32, #tpu.memory_space<hbm>>
        %dma_start3A_132 = tpu.memref_squeeze %dma_start3A_131 : memref<1x4x56x56xf32, #tpu.memory_space<hbm>> -> memref<4x56x56xf32, #tpu.memory_space<hbm>>
        tpu.enqueue_dma source(%dma_start3A_132 : memref<4x56x56xf32, #tpu.memory_space<hbm>>) target(%dma_start3A_129 : memref<4x56x56xf32, #tpu.memory_space<vmem>>) target_semaphore(%run_scoped3A : memref<!tpu.dma_semaphore, #tpu.memory_space<semaphore_mem>>)
        %dma_wait3A = arith.constant 0 : i32
        %dma_wait3A_133 = arith.constant 0 : i32
        %dma_wait3A_134 = arith.constant 112 : i32
        %dma_wait3A_135 = tpu.memref_slice %arg6[%dma_wait3A, %dma_wait3A_133, %dma_wait3A_134] : memref<4x56x224xf32, #tpu.memory_space<vmem>> -> memref<4x56x56xf32, #tpu.memory_space<vmem>>
        %dma_wait3A_136 = arith.constant 112 : i32
        %dma_wait3A_137 = tpu.memref_slice %arg2[%squeeze3A_110, %mul3A_102, %mul3A_112, %dma_wait3A_136] : memref<16x96x224x224xf32, #tpu.memory_space<hbm>> -> memref<1x4x56x56xf32, #tpu.memory_space<hbm>>
        %dma_wait3A_138 = tpu.memref_squeeze %dma_wait3A_137 : memref<1x4x56x56xf32, #tpu.memory_space<hbm>> -> memref<4x56x56xf32, #tpu.memory_space<hbm>>
        %dma_wait3A_139 = arith.constant 0 : i32
        %dma_wait3A_140 = arith.constant 0 : i32
        %dma_wait3A_141 = arith.constant 112 : i32
        %dma_wait3A_142 = tpu.memref_slice %arg6[%dma_wait3A_139, %dma_wait3A_140, %dma_wait3A_141] : memref<4x56x224xf32, #tpu.memory_space<vmem>> -> memref<4x56x56xf32, #tpu.memory_space<vmem>>
        %dma_wait3A_143 = arith.constant 112 : i32
        %dma_wait3A_144 = tpu.memref_slice %arg2[%squeeze3A_110, %mul3A_102, %mul3A_112, %dma_wait3A_143] : memref<16x96x224x224xf32, #tpu.memory_space<hbm>> -> memref<1x4x56x56xf32, #tpu.memory_space<hbm>>
        %dma_wait3A_145 = tpu.memref_squeeze %dma_wait3A_144 : memref<1x4x56x56xf32, #tpu.memory_space<hbm>> -> memref<4x56x56xf32, #tpu.memory_space<hbm>>
        tpu.wait_dma2 semaphore(%run_scoped3A : memref<!tpu.dma_semaphore, #tpu.memory_space<semaphore_mem>>) src(%dma_wait3A_145 : memref<4x56x56xf32, #tpu.memory_space<hbm>>) dst(%dma_wait3A_142 : memref<4x56x56xf32, #tpu.memory_space<vmem>>)
        tpu.yield
      }) : () -> ()
      %slice3A_113 = vector.extract_strided_slice %get3A_91 {offsets = [3], sizes = [1], strides = [1]} : vector<16xi32> to vector<1xi32>
      %squeeze3A_114 = vector.extract %slice3A_113[0] : i32 from vector<1xi32>
      %mul3A_115 = arith.constant 56 : i32
      %mul3A_116 = arith.muli %select_n3A_87, %mul3A_115 : i32
      "tpu.region"() ({
        %run_scoped3A = tpu.sem_alloc : memref<!tpu.dma_semaphore, #tpu.memory_space<semaphore_mem>>
        %dma_start3A = arith.constant 0 : i32
        %dma_start3A_120 = arith.constant 0 : i32
        %dma_start3A_121 = arith.constant 168 : i32
        %dma_start3A_122 = tpu.memref_slice %arg6[%dma_start3A, %dma_start3A_120, %dma_start3A_121] : memref<4x56x224xf32, #tpu.memory_space<vmem>> -> memref<4x56x56xf32, #tpu.memory_space<vmem>>
        %dma_start3A_123 = arith.constant 168 : i32
        %dma_start3A_124 = tpu.memref_slice %arg2[%squeeze3A_114, %mul3A_102, %mul3A_116, %dma_start3A_123] : memref<16x96x224x224xf32, #tpu.memory_space<hbm>> -> memref<1x4x56x56xf32, #tpu.memory_space<hbm>>
        %dma_start3A_125 = tpu.memref_squeeze %dma_start3A_124 : memref<1x4x56x56xf32, #tpu.memory_space<hbm>> -> memref<4x56x56xf32, #tpu.memory_space<hbm>>
        %dma_start3A_126 = arith.constant 0 : i32
        %dma_start3A_127 = arith.constant 0 : i32
        %dma_start3A_128 = arith.constant 168 : i32
        %dma_start3A_129 = tpu.memref_slice %arg6[%dma_start3A_126, %dma_start3A_127, %dma_start3A_128] : memref<4x56x224xf32, #tpu.memory_space<vmem>> -> memref<4x56x56xf32, #tpu.memory_space<vmem>>
        %dma_start3A_130 = arith.constant 168 : i32
        %dma_start3A_131 = tpu.memref_slice %arg2[%squeeze3A_114, %mul3A_102, %mul3A_116, %dma_start3A_130] : memref<16x96x224x224xf32, #tpu.memory_space<hbm>> -> memref<1x4x56x56xf32, #tpu.memory_space<hbm>>
        %dma_start3A_132 = tpu.memref_squeeze %dma_start3A_131 : memref<1x4x56x56xf32, #tpu.memory_space<hbm>> -> memref<4x56x56xf32, #tpu.memory_space<hbm>>
        tpu.enqueue_dma source(%dma_start3A_132 : memref<4x56x56xf32, #tpu.memory_space<hbm>>) target(%dma_start3A_129 : memref<4x56x56xf32, #tpu.memory_space<vmem>>) target_semaphore(%run_scoped3A : memref<!tpu.dma_semaphore, #tpu.memory_space<semaphore_mem>>)
        %dma_wait3A = arith.constant 0 : i32
        %dma_wait3A_133 = arith.constant 0 : i32
        %dma_wait3A_134 = arith.constant 168 : i32
        %dma_wait3A_135 = tpu.memref_slice %arg6[%dma_wait3A, %dma_wait3A_133, %dma_wait3A_134] : memref<4x56x224xf32, #tpu.memory_space<vmem>> -> memref<4x56x56xf32, #tpu.memory_space<vmem>>
        %dma_wait3A_136 = arith.constant 168 : i32
        %dma_wait3A_137 = tpu.memref_slice %arg2[%squeeze3A_114, %mul3A_102, %mul3A_116, %dma_wait3A_136] : memref<16x96x224x224xf32, #tpu.memory_space<hbm>> -> memref<1x4x56x56xf32, #tpu.memory_space<hbm>>
        %dma_wait3A_138 = tpu.memref_squeeze %dma_wait3A_137 : memref<1x4x56x56xf32, #tpu.memory_space<hbm>> -> memref<4x56x56xf32, #tpu.memory_space<hbm>>
        %dma_wait3A_139 = arith.constant 0 : i32
        %dma_wait3A_140 = arith.constant 0 : i32
        %dma_wait3A_141 = arith.constant 168 : i32
        %dma_wait3A_142 = tpu.memref_slice %arg6[%dma_wait3A_139, %dma_wait3A_140, %dma_wait3A_141] : memref<4x56x224xf32, #tpu.memory_space<vmem>> -> memref<4x56x56xf32, #tpu.memory_space<vmem>>
        %dma_wait3A_143 = arith.constant 168 : i32
        %dma_wait3A_144 = tpu.memref_slice %arg2[%squeeze3A_114, %mul3A_102, %mul3A_116, %dma_wait3A_143] : memref<16x96x224x224xf32, #tpu.memory_space<hbm>> -> memref<1x4x56x56xf32, #tpu.memory_space<hbm>>
        %dma_wait3A_145 = tpu.memref_squeeze %dma_wait3A_144 : memref<1x4x56x56xf32, #tpu.memory_space<hbm>> -> memref<4x56x56xf32, #tpu.memory_space<hbm>>
        tpu.wait_dma2 semaphore(%run_scoped3A : memref<!tpu.dma_semaphore, #tpu.memory_space<semaphore_mem>>) src(%dma_wait3A_145 : memref<4x56x56xf32, #tpu.memory_space<hbm>>) dst(%dma_wait3A_142 : memref<4x56x56xf32, #tpu.memory_space<vmem>>)
        tpu.yield
      }) : () -> ()
      %mul3A_117 = arith.constant 56 : i32
      %mul3A_118 = arith.muli %select_n3A_87, %mul3A_117 : i32
      "tpu.region"() ({
        %run_scoped3A = tpu.sem_alloc : memref<!tpu.dma_semaphore, #tpu.memory_space<semaphore_mem>>
        %dma_start3A = arith.constant 0 : i32
        %dma_start3A_120 = tpu.memref_slice %arg4[%select_n3A_71, %mul3A_102, %mul3A_118, %dma_start3A] : memref<16x96x224x224xf32, #tpu.memory_space<hbm>> -> memref<1x4x56x224xf32, #tpu.memory_space<hbm>>
        %dma_start3A_121 = tpu.memref_squeeze %dma_start3A_120 : memref<1x4x56x224xf32, #tpu.memory_space<hbm>> -> memref<4x56x224xf32, #tpu.memory_space<hbm>>
        %dma_start3A_122 = arith.constant 0 : i32
        %dma_start3A_123 = tpu.memref_slice %arg4[%select_n3A_71, %mul3A_102, %mul3A_118, %dma_start3A_122] : memref<16x96x224x224xf32, #tpu.memory_space<hbm>> -> memref<1x4x56x224xf32, #tpu.memory_space<hbm>>
        %dma_start3A_124 = tpu.memref_squeeze %dma_start3A_123 : memref<1x4x56x224xf32, #tpu.memory_space<hbm>> -> memref<4x56x224xf32, #tpu.memory_space<hbm>>
        tpu.enqueue_dma source(%arg6 : memref<4x56x224xf32, #tpu.memory_space<vmem>>) target(%dma_start3A_124 : memref<4x56x224xf32, #tpu.memory_space<hbm>>) target_semaphore(%run_scoped3A : memref<!tpu.dma_semaphore, #tpu.memory_space<semaphore_mem>>)
        %dma_wait3A = arith.constant 0 : i32
        %dma_wait3A_125 = tpu.memref_slice %arg4[%select_n3A_71, %mul3A_102, %mul3A_118, %dma_wait3A] : memref<16x96x224x224xf32, #tpu.memory_space<hbm>> -> memref<1x4x56x224xf32, #tpu.memory_space<hbm>>
        %dma_wait3A_126 = tpu.memref_squeeze %dma_wait3A_125 : memref<1x4x56x224xf32, #tpu.memory_space<hbm>> -> memref<4x56x224xf32, #tpu.memory_space<hbm>>
        %dma_wait3A_127 = arith.constant 0 : i32
        %dma_wait3A_128 = tpu.memref_slice %arg4[%select_n3A_71, %mul3A_102, %mul3A_118, %dma_wait3A_127] : memref<16x96x224x224xf32, #tpu.memory_space<hbm>> -> memref<1x4x56x224xf32, #tpu.memory_space<hbm>>
        %dma_wait3A_129 = tpu.memref_squeeze %dma_wait3A_128 : memref<1x4x56x224xf32, #tpu.memory_space<hbm>> -> memref<4x56x224xf32, #tpu.memory_space<hbm>>
        tpu.wait_dma2 semaphore(%run_scoped3A : memref<!tpu.dma_semaphore, #tpu.memory_space<semaphore_mem>>) src(%arg6 : memref<4x56x224xf32, #tpu.memory_space<vmem>>) dst(%dma_wait3A_129 : memref<4x56x224xf32, #tpu.memory_space<hbm>>)
        tpu.yield
      }) : () -> ()
      %scan3A_119 = arith.constant 0 : i32
      scf.yield %scan3A_119 : i32
    }
    %scan3A_98 = arith.constant 24 : i32
    return
  }
}

</mosaic_0001>

<sc_bundles>
// kernel: kernel.3.cloned.1.call-start
scs
__scs_entry_jumppad:
0x0: {  	(pc) =	sbr.rel $0x88, $3  }
0x1: {  	(tag) =	ssettag $0x0;
	lr =	simm.s32 $0x1  }
0x2: {  	[smem:$0x3FA0] =	sst lr;
	_ =	strace $0xD0000000  }
0x3: {  	_ = 	snop  }
0x4: {  	_ = 	snop  }
0x5: {  	_ = 	snop  }
0x6: {  	_ = 	snop  }
0x7: {  	_ = 	snop  }
__scs_overlays_trampoline_lowered:
0x8: {  	[smem:$0x3FAF] =	sst s0  }
0x9: {  	[smem:$0x3FB0] =	sst s1  }
0xa: {  	[smem:$0x3FB1] =	sst s2  }
0xb: {  	[smem:$0x3FB2] =	sst s3  }
0xc: {  	[smem:$0x3FB3] =	sst s4  }
0xd: {  	[smem:$0x3FB4] =	sst s5  }
0xe: {  	[smem:$0x3FB5] =	sst s6  }
0xf: {  	[smem:$0x3FB6] =	sst s7  }
0x10: {  	[smem:$0x3FB7] =	sst s8  }
0x11: {  	[smem:$0x3FB8] =	sst s9;
	s0 =	simm.s32 @!p0 $0x0  }
0x12: {  	s1 =	sld [smem:$0x3F9E];
	s0 =	simm.s32 @p0 $0x1  }
0x13: {  	[smem:$0x3FB9] =	sst s0;
	s0 =	simm.s32 @!p1 $0x0  }
0x14: {  	s2 =	sld [smem:$0x3F9D];
	s0 =	simm.s32 @p1 $0x1  }
0x15: {  	[smem:$0x3FBA] =	sst s0;
	s0 =	simm.s32 @!p2 $0x0  }
0x16: {  	s3 =	sld [smem:$0x3FDB];
	s0 =	simm.s32 @p2 $0x1  }
0x17: {  	s4 =	simm.s32 $0x1BF5;
	[smem:$0x3FBC] =	sst s0  }
0x18: {  	s0 =	sld [smem:$0x3F9F];
	_ =	swait.ge [sflag:s4], $0x0  }
0x19: {  	s7 =	sld [smem:$0x3FA0]  }
0x1a: {  	s8 =	sadd.s32 $0xFFFFE003, lr  }
0x1b: {  	s9 =	sadd.s32 $0xFFFFFEF7, lr;
	s5 =	simm.s32 $0xFFFFFFFF;
	p2 =	slt.u32 s8, $0xFFFFF086  }
0x1c: {  	p1 =	slt.u32 s9, $0xF7A;
	s5 =	simm.s32 @!p2 $0x0  }
0x1d: {  	s5 =	simm.s32 @p1 $0x1;
	p0 =	seq.s32 s7, s2  }
0x1e: {  	s7 =	smul.u32 @!p0 $0xF7A, s2;
	p2 =	seq.s32 @!p0 s5, $0x0  }
0x1f: {  	s9 =	smul.u32 $0xF7A, s1;
	s8 =	simm.s32 @!p0 $0x1BF5;
	p2 =	por !p2, p0  }
0x20: {  	[sflag:s8] =	ssyncset.s32 @!p0 $0xFFFFF086;
	s6 =	sadd.s32 @!p0 s3, s7;
	s7 =	simm.s32 @!p0 $0x108  }
0x21: {  	s3 =	sadd.s32 s3, s9;
	s6 =	sadd.s32 @!p0 $0x88, s6;
	s7 =	simm.s32 @p2 $0x1082  }
0x22: {  	[simem:s7], [sflag:s8] =	dma.local @!p0 [hbm:s6], $0xF7A  }
0x23: {  	s9 =	sor.u32 $0xD0000000, s2;
	s6 =	simm.s32 $0x108;
	_ =	swait.ge @!p0 [sflag:s8], $0x0  }
0x24: {  	s3 =	sadd.s32 $0x88, s3;
	s6 =	simm.s32 @!p1 $0x1082;
	[sflag:s4] =	ssyncset.s32 $0xFFFFF086  }
0x25: {  	[simem:s6], [sflag:s4] =	dma.local [hbm:s3], $0xF7A  }
0x26: {  	[smem:$0x3FA0] =	sst s1;
	(tag) =	ssettag s2;
	_ =	strace s9  }
0x27: {  	s1 =	sld [smem:$0x3FB0]  }
0x28: {  	s2 =	sld [smem:$0x3FB1]  }
0x29: {  	s4 =	sld [smem:$0x3FB3]  }
0x2a: {  	p0 =	seq.s32 s5, $0x0;
	s5 =	sld [smem:$0x3FB4]  }
0x2b: {  	s6 =	sld [smem:$0x3FB5]  }
0x2c: {  	s7 =	sld [smem:$0x3FB6]  }
0x2d: {  	s3 =	simm.s32 $0x108;
	s8 =	sld [smem:$0x3FB7]  }
0x2e: {  	s3 =	simm.s32 @!p0 $0x1082;
	s9 =	sld [smem:$0x3FB8]  }
0x2f: {  	lr =	sadd.s32 s0, s3;
	s0 =	sld [smem:$0x3FAF]  }
0x30: {  	s3 =	sld [smem:$0x3FB2]  }
0x31: {  	[smem:$0x3FBB] =	sst s10  }
0x32: {  	s10 =	sld [smem:$0x3FB9];
	_ =	sdelay $0x3  }
0x33: {  	p0 =	seq.s32 s10, $0x1;
	s10 =	sld [smem:$0x3FBB];
	_ =	sdelay $0x3  }
0x34: {  	[smem:$0x3FBB] =	sst s10  }
0x35: {  	s10 =	sld [smem:$0x3FBA];
	_ =	sdelay $0x3  }
0x36: {  	p1 =	seq.s32 s10, $0x1;
	s10 =	sld [smem:$0x3FBB];
	_ =	sdelay $0x3  }
0x37: {  	[smem:$0x3FBB] =	sst s10  }
0x38: {  	s10 =	sld [smem:$0x3FBC]  }
0x39: {  	_ = 	snop;
	(pc) =	sbr.ind lr, $3  }
0x3a: {  	_ = 	snop  }
0x3b: {  	_ = 	snop  }
0x3c: {  	p2 =	seq.s32 s10, $0x1;
	s10 =	sld [smem:$0x3FBB]  }
0x3d: {  	_ =	shalt  }
0x3e: {  	_ =	shalt  }
0x3f: {  	_ =	shalt  }
0x40: {  	_ =	shalt  }
0x41: {  	_ =	shalt  }
0x42: {  	_ =	shalt  }
0x43: {  	_ =	shalt  }
0x44: {  	_ =	shalt  }
0x45: {  	_ =	shalt  }
0x46: {  	_ =	shalt  }
0x47: {  	_ =	shalt  }
0x48: {  	_ =	shalt  }
0x49: {  	_ =	shalt  }
0x4a: {  	_ =	shalt  }
0x4b: {  	_ =	shalt  }
0x4c: {  	_ =	shalt  }
0x4d: {  	_ =	shalt  }
0x4e: {  	_ =	shalt  }
0x4f: {  	_ =	shalt  }
0x50: {  	_ =	shalt  }
0x51: {  	_ =	shalt  }
0x52: {  	_ =	shalt  }
0x53: {  	_ =	shalt  }
0x54: {  	_ =	shalt  }
0x55: {  	_ =	shalt  }
0x56: {  	_ =	shalt  }
0x57: {  	_ =	shalt  }
0x58: {  	_ =	shalt  }
0x59: {  	_ =	shalt  }
0x5a: {  	_ =	shalt  }
0x5b: {  	_ =	shalt  }
0x5c: {  	_ =	shalt  }
0x5d: {  	_ =	shalt  }
0x5e: {  	_ =	shalt  }
0x5f: {  	_ =	shalt  }
0x60: {  	_ =	shalt  }
0x61: {  	_ =	shalt  }
0x62: {  	_ =	shalt  }
0x63: {  	_ =	shalt  }
0x64: {  	_ =	shalt  }
0x65: {  	_ =	shalt  }
0x66: {  	_ =	shalt  }
0x67: {  	_ =	shalt  }
0x68: {  	_ =	shalt  }
0x69: {  	_ =	shalt  }
0x6a: {  	_ =	shalt  }
0x6b: {  	_ =	shalt  }
0x6c: {  	_ =	shalt  }
0x6d: {  	_ =	shalt  }
0x6e: {  	_ =	shalt  }
0x6f: {  	_ =	shalt  }
0x70: {  	_ =	shalt  }
0x71: {  	_ =	shalt  }
0x72: {  	_ =	shalt  }
0x73: {  	_ =	shalt  }
0x74: {  	_ =	shalt  }
0x75: {  	_ =	shalt  }
0x76: {  	_ =	shalt  }
0x77: {  	_ =	shalt  }
0x78: {  	_ =	shalt  }
0x79: {  	_ =	shalt  }
0x7a: {  	_ =	shalt  }
0x7b: {  	_ =	shalt  }
0x7c: {  	_ =	shalt  }
0x7d: {  	_ =	shalt  }
0x7e: {  	_ =	shalt  }
0x7f: {  	_ =	shalt  }
0x80: {  	_ =	shalt  }
0x81: {  	_ =	shalt  }
0x82: {  	_ =	shalt  }
0x83: {  	_ =	shalt  }
0x84: {  	_ =	shalt  }
0x85: {  	_ =	shalt  }
0x86: {  	_ =	shalt  }
0x87: {  	_ =	shalt  }
.Lfunc_end0:
.L_simem_size_0:
called_computation_lowered:
.L_overlay_start_0:
0x88: {  	s2 =	sld [smem:$0x3FD9]  }
0x89: {  	s3 =	sld [smem:$0x3FFE];
	_ =	sdelay $0x1  }
0x8a: {  	s1 =	srdreg.scid  }
0x8b: {  	s0 =	sand.u32 $0x1, s1  }
0x8c: {  	s14 =	sshll.u32 s0, $0xA;
	s2 =	sadd.s32 s3, s2  }
0x8d: {  	s2 =	sadd.s32 s2, s14  }
0x8e: {  	[smem:$0x3FC7] =	sst s2  }
0x8f: {  	_ = 	snop  }
0x90: {  	s2 =	sld [smem:$0x3FD0];
	_ =	sdelay $0x2  }
0x91: {  	s15 =	simm.s32 $0xA;
	s4 =	simm.s32 $0x10  }
0x92: {  	[smem:s4], [sflag:s15] =	dma.local [hbm:s2], $0x1  }
0x93: {  	_ =	swait.eq [sflag:s15], $0x1  }
0x94: {  	[sflag:s15] =	ssyncset.done $0x0  }
0x95: {  	[sflag:s15] =	ssyncadd.s32 $0xFFFFFFFF  }
0x96: {  	s16 =	sld [smem:$0x10];
	(tm) =	ssettm $0x1  }
0x97: {  	s17 =	sld [smem:$0x3FFB];
	_ =	sdelay $0x3  }
0x98: {  	_ =	strace s17  }
0x99: {  	s3 =	sld [smem:$0x3FFC];
	_ =	sdelay $0x3  }
0x9a: {  	_ =	strace s3  }
0x9b: {  	s3 =	sld [smem:$0x3FFD];
	_ =	sdelay $0x3  }
0x9c: {  	_ =	strace s3  }
0x9d: {  	_ =	strace $0x8FFFFFFF  }
0x9e: {  	s18 =	sld [smem:$0x3FDB];
	_ =	sdelay $0x1  }
0x9f: {  	s19 =	simm.s32 $_scs_section_size  }
0xa0: {  	s5 =	simm.s32 $_size__tile_overlayer_lowered;
	s6 =	simm.s32 $_tile_overlayer_lowered  }
0xa1: {  	s22 =	simm.s32 $0x1BFF;
	s21 =	sshll.u32 s6, $0x1;
	s3 =	sadd.s32 s19, s18  }
0xa2: {  	s7 =	simm.s32 $0x0;
	s20 =	sshll.u32 s5, $0x1;
	s5 =	sadd.s32 s21, s3  }
0xa3: {  	[timem:s7], [sflag:s22] =	dma.local [hbm:s5], s20  }
0xa4: {  	_ =	swait.ge [sflag:s22], s20  }
0xa5: {  	s4 =	ssub.s32 $0x0, s20;
	[sflag:s22] =	ssyncset.done $0x0  }
0xa6: {  	[sflag:s22] =	ssyncadd.s32 s4;
	_ =	sdelay $0x1  }
0xa7: {  	s23 =	simm.s32 $0x1B8B  }
0xa8: {  	_ =	swait.ge [sflag:s23], $0x1  }
0xa9: {  	[sflag:s23] =	ssyncset.done $0x0  }
0xaa: {  	s25 =	simm.s32 $0x1B8E;
	s24 =	sld [smem:$0x3FFE];
	[sflag:s23] =	ssyncadd.s32 $0xFFFFFFFF  }
0xab: {  	s26 =	simm.s32 $execute0_lowered;
	[smem:$0x3FD2] =	sst s25  }
0xac: {  	s5 =	sshll.u32 s26, $0x1;
	_ =	strace $0x80000046;
	[dreg:$0x1] =	wrdreg $0xFFFFFFFF  }
0xad: {  	s28 =	simm.s32 $_size_execute0_lowered;
	s3 =	sadd.s32 s3, s5;
	[dreg:$0x0] =	wrdreg $0x0  }
0xae: {  	s5 =	sshll.u32 s28, $0x1;
	[dreg:$0x2] =	wrdreg s3  }
0xaf: {  	[dreg:$0x3] =	wrdreg s5  }
0xb0: {  	[dreg:$0x4] =	wrdreg $0xC0  }
0xb1: {  	_ =	task [dreg:s7], $0x5FFFF  }
0xb2: {  	[dreg:$0x1] =	wrdreg $0xFFFFFFFF  }
0xb3: {  	[dreg:$0x0] =	wrdreg $0x60  }
0xb4: {  	[dreg:$0x2] =	wrdreg s16  }
0xb5: {  	[dreg:$0x3] =	wrdreg s24  }
0xb6: {  	[dreg:$0x4] =	wrdreg $0x9  }
0xb7: {  	_ =	task.clear_ibuf [dreg:s7], $0x5FFFF;
	_ =	strace $0x90000046  }
0xb8: {  	s29 =	simm.s32 $0x9;
	_ =	strace $0x80000048  }
0xb9: {  	_ =	swait.ge [sflag:s29], $0x1  }
0xba: {  	[sflag:s29] =	ssyncadd.s32 $0xFFFFFFFF  }
0xbb: {  	_ =	strace $0x90000048  }
0xbc: {  	_ =	sfence  }
0xbd: {  	s30 =	sld [smem:$0x0];
	_ =	sdelay $0x2  }
0xbe: {  	s31 =	sshll.u32 s1, $0xD;
	s1 =	sshrl.u32 s1, $0x2  }
0xbf: {  	s3 =	sand.u32 $0x4000, s31;
	s1 =	sadd.s32 s1, s30  }
0xc0: {  	s0 =	sor.u32 s3, s0;
	s1 =	sshll.u32 s1, $0x11  }
0xc1: {  	s0 =	sor.u32 s1, s0  }
0xc2: {  	s0 =	sadd.s32 $0x8F2B, s0  }
0xc3: {  	[sflag:s0] =	ssyncadd.remote.s32 $0x1  }
0xc4: {  	_ =	sfence.sel $0xFFFF  }
0xc5: {  	[dreg:$0x0] =	wrdreg $0xFFFFFFFF;
	(pc) =	sbr.abs _section_cstart, $3  }
0xc6: {  	[dreg:$0x1] =	wrdreg $0xFFFFFFFF  }
0xc7: {  	_ =	task.clear_ibuf [dreg:s7], $0x2FFFF;
	_ =	strace $0x9FFFFFFF  }
0xc8: {  	(tm) =	ssettm $0x7FFFFFFF  }
0xc9: {  	_ =	shalt  }
tec
execute0_lowered:
.L_overlay_start_1:
0x0: {  	(tag) =	ssettag $0x1  }
0x1: {  	s1 =	srdreg.scid;
	s2 =	rddreg [dreg:$0x0]  }
0x2: {  	s0 =	stileid.u32;
	s3 =	rddreg [dreg:$0x1];
	s4 =	simm.s32 $0x0  }
0x3: {  	s7 =	simm.s32 $0x1;
	s16 =	simm.s32 $0x3100;
	s1 =	sand.u32 $0x1, s1  }
0x4: {  	s17 =	simm.s32 $0xC400;
	s5 =	sshll.u32 s0, $0x2;
	s6 =	sshll.u32 s1, $0x1  }
0x5: {  	s18 =	simm.s32 $0x400;
	s19 =	simm.s32 $0x0;
	s8 =	sor.u32 s6, s5  }
0x6: {  	[smem:$0x7FF] =	sst s4;
	p1 =	seq.s32 s1, $0x1;
	p0 =	seq.s32 s8, $0x0  }
0x7: {  	s10 =	sadd.s32 $0xE, s2;
	s14 =	smul.u32 $0x498000, s0;
	p0 =	por !p0, !p1  }
0x8: {  	s11 =	sadd.s32 $0x15, s2;
	_ =	strace $0x80000047;
	p0 =	por !p0, !p0  }
0x9: {  	s29 =	ssub.s32 $0x2, s1;
	s5 =	sadd.s32 $0x200, s3;
	s7 =	simm.s32 @!p0 $0x0  }
0xa: {  	s9 =	sshrl.u32 s29, $0x1;
	s6 =	smul.u32 $0x6200, s1;
	s30 =	ssub.s32 s0, s7  }
0xb: {  	s15 =	ssub.s32 s29, s9;
	s8 =	sshll.u32 s8, $0x4;
	s31 =	smul.u32 $0x498000, s30  }
0xc: {  	s9 =	sadd.s32 $0x7, s2;
	s13 =	sadd.s32 $0x3100, s6;
	s15 =	smax.u32 s15, $0x1  }
0xd: {  	s14 =	sadd.s32 s14, s13;
	s7 =	simm.s32 $0x1;
	s12 =	sor.u32 s6, s31  }
.LBB2_1:
0xe: {  	[tilespmem:s4], [sflag:$0x1] =	stream.linear.gather [hbm4b:s3+s4], $0x400, $0x38;
	[tilespmem:$0xC800] =	vst v63  }
0xf: {  	_ =	swait.ge [sflag:s7], $0x400  }
0x10: {  	[sflag:s7] =	ssyncset.done $0x0  }
0x11: {  	[sflag:s7] =	ssyncadd.s32 $0xFFFFFC00  }
0x12: {  	v0 =	vld [tilespmem:s8+$0x0];
	_ =	sdelay $0x4  }
0x13: {  	v0 =	vmul.u32 $0x498000, v0;
	_ =	sdelay $0x1  }
0x14: {  	(v2sf) =	vpush v0, $0x0  }
0x15: {  	(v2sf) =	vpush v0, $0x1  }
0x16: {  	(v2sf) =	vpush v0, $0x2  }
0x17: {  	(v2sf) =	vpush v0, $0x3;
	_ =	sdelay $0xb  }
0x18: {  	s1 =	spop (v2sf)  }
0x19: {  	s21 =	spop (v2sf)  }
0x1a: {  	s22 =	spop (v2sf)  }
0x1b: {  	s24 =	simm.s32 $0x0;
	s20 =	sor.u32 s1, s6;
	s31 =	spop (v2sf)  }
0x1c: {  	s21 =	sor.u32 s6, s21;
	s22 =	sor.u32 s6, s22;
	s23 =	sor.u32 s6, s31  }
.LBB2_2:
0x1d: {  	s25 =	smul.u32 $0x31000, s24;
	_ =	sdelay $0x1  }
0x1e: {  	s1 =	sadd.s32 s20, s25  }
0x1f: {  	s1 =	sshrl.u32 s1, $0x3  }
0x20: {  	s28 =	simm.s32 $0x400;
	s26 =	sadd.s32 s2, s1  }
0x21: {  	s29 =	simm.s32 $0x1C;
	s30 =	simm.s32 $0x4E0;
	s31 =	sadd.s32 $0x0, s26  }
.LBB2_3:
0x22: {  	[tilespmem:s28], [sflag:$0x1] =	stream.linear.gather [hbm4b:s31+s4], $0x38, $0x38;
	[tilespmem:$0xC800] =	vst v63  }
0x23: {  	s1 =	smov.u32 s29;
	s28 =	smov.u32 s30;
	p0 =	sne.s32 s29, $0x604  }
.Ltmp0:
0x24: {  	s29 =	sadd.s32 $0x1C, s29;
	(pc) =	sbr.rel @p0 .LBB2_3-.Ltmp0, $2  }
0x25: {  	_ =	sdelay $0x2  }
0x26: {  	s30 =	sadd.s32 $0xE0, s30;
	s31 =	sadd.s32 s1, s26  }
0x27: {  	[tilespmem:s28], [sflag:$0x1] =	stream.linear.gather [hbm4b:s31+s4], $0x38, $0x38;
	[tilespmem:$0xC800] =	vst v63  }
0x28: {  	s28 =	sadd.s32 $0x1880, s26;
	s29 =	simm.s32 $0x3500  }
0x29: {  	s30 =	simm.s32 $0x1C;
	s31 =	simm.s32 $0x35E0;
	s1 =	sadd.s32 $0x0, s28  }
.LBB2_5:
0x2a: {  	[tilespmem:s29], [sflag:$0x1] =	stream.linear.gather [hbm4b:s1+s4], $0x38, $0x38;
	[tilespmem:$0xC800] =	vst v63  }
0x2b: {  	s1 =	smov.u32 s30;
	s29 =	smov.u32 s31;
	p0 =	sne.s32 s30, $0x604  }
.Ltmp1:
0x2c: {  	s30 =	sadd.s32 $0x1C, s30;
	(pc) =	sbr.rel @p0 .LBB2_5-.Ltmp1, $2  }
0x2d: {  	_ =	sdelay $0x2  }
0x2e: {  	s31 =	sadd.s32 $0xE0, s31;
	s1 =	sadd.s32 s1, s28  }
0x2f: {  	[tilespmem:s29], [sflag:$0x1] =	stream.linear.gather [hbm4b:s1+s4], $0x38, $0x38;
	[tilespmem:$0xC800] =	vst v63  }
0x30: {  	s28 =	sadd.s32 $0x3100, s26;
	s29 =	simm.s32 $0x6600  }
0x31: {  	s30 =	simm.s32 $0x1C;
	s31 =	simm.s32 $0x66E0;
	s1 =	sadd.s32 $0x0, s28  }
.LBB2_7:
0x32: {  	[tilespmem:s29], [sflag:$0x1] =	stream.linear.gather [hbm4b:s1+s4], $0x38, $0x38;
	[tilespmem:$0xC800] =	vst v63  }
0x33: {  	s1 =	smov.u32 s30;
	s29 =	smov.u32 s31;
	p0 =	sne.s32 s30, $0x604  }
.Ltmp2:
0x34: {  	s30 =	sadd.s32 $0x1C, s30;
	(pc) =	sbr.rel @p0 .LBB2_7-.Ltmp2, $2  }
0x35: {  	_ =	sdelay $0x2  }
0x36: {  	s31 =	sadd.s32 $0xE0, s31;
	s1 =	sadd.s32 s1, s28  }
0x37: {  	[tilespmem:s29], [sflag:$0x1] =	stream.linear.gather [hbm4b:s1+s4], $0x38, $0x38;
	[tilespmem:$0xC800] =	vst v63  }
0x38: {  	s26 =	sadd.s32 $0x4980, s26;
	s28 =	simm.s32 $0x9700  }
0x39: {  	s29 =	simm.s32 $0x1C;
	s30 =	simm.s32 $0x97E0;
	s1 =	sadd.s32 $0x0, s26  }
.LBB2_9:
0x3a: {  	[tilespmem:s28], [sflag:$0x1] =	stream.linear.gather [hbm4b:s1+s4], $0x38, $0x38;
	[tilespmem:$0xC800] =	vst v63  }
0x3b: {  	s1 =	smov.u32 s29;
	s28 =	smov.u32 s30;
	p0 =	sne.s32 s29, $0x604  }
.Ltmp3:
0x3c: {  	s29 =	sadd.s32 $0x1C, s29;
	(pc) =	sbr.rel @p0 .LBB2_9-.Ltmp3, $2  }
0x3d: {  	_ =	sdelay $0x2  }
0x3e: {  	s30 =	sadd.s32 $0xE0, s30;
	s1 =	sadd.s32 s1, s26  }
0x3f: {  	[tilespmem:s28], [sflag:$0x1] =	stream.linear.gather [hbm4b:s1+s4], $0x38, $0x38;
	[tilespmem:$0xC800] =	vst v63  }
0x40: {  	s31 =	sadd.s32 s25, s21  }
0x41: {  	s28 =	simm.s32 $0x438;
	_ =	swait.ge [sflag:s7], $0x3100;
	s1 =	sshrl.u32 s31, $0x3  }
0x42: {  	s29 =	simm.s32 $0x1C;
	[sflag:s7] =	ssyncset.done $0x0;
	s26 =	sadd.s32 s1, s9  }
0x43: {  	s30 =	simm.s32 $0x518;
	[sflag:s7] =	ssyncadd.s32 $0xFFFFCF00;
	s1 =	sadd.s32 $0x0, s26  }
.LBB2_11:
0x44: {  	[tilespmem:s28], [sflag:$0x1] =	stream.linear.gather [hbm4b:s1+s4], $0x38, $0x38;
	[tilespmem:$0xC800] =	vst v63  }
0x45: {  	s1 =	smov.u32 s29;
	s28 =	smov.u32 s30;
	p0 =	sne.s32 s29, $0x604  }
.Ltmp4:
0x46: {  	s29 =	sadd.s32 $0x1C, s29;
	(pc) =	sbr.rel @p0 .LBB2_11-.Ltmp4, $2  }
0x47: {  	_ =	sdelay $0x2  }
0x48: {  	s30 =	sadd.s32 $0xE0, s30;
	s1 =	sadd.s32 s1, s26  }
0x49: {  	[tilespmem:s28], [sflag:$0x1] =	stream.linear.gather [hbm4b:s1+s4], $0x38, $0x38;
	[tilespmem:$0xC800] =	vst v63  }
0x4a: {  	s28 =	sadd.s32 $0x1880, s26;
	s29 =	simm.s32 $0x3538  }
0x4b: {  	s30 =	simm.s32 $0x1C;
	s31 =	simm.s32 $0x3618;
	s1 =	sadd.s32 $0x0, s28  }
.LBB2_13:
0x4c: {  	[tilespmem:s29], [sflag:$0x1] =	stream.linear.gather [hbm4b:s1+s4], $0x38, $0x38;
	[tilespmem:$0xC800] =	vst v63  }
0x4d: {  	s1 =	smov.u32 s30;
	s29 =	smov.u32 s31;
	p0 =	sne.s32 s30, $0x604  }
.Ltmp5:
0x4e: {  	s30 =	sadd.s32 $0x1C, s30;
	(pc) =	sbr.rel @p0 .LBB2_13-.Ltmp5, $2  }
0x4f: {  	_ =	sdelay $0x2  }
0x50: {  	s31 =	sadd.s32 $0xE0, s31;
	s1 =	sadd.s32 s1, s28  }
0x51: {  	[tilespmem:s29], [sflag:$0x1] =	stream.linear.gather [hbm4b:s1+s4], $0x38, $0x38;
	[tilespmem:$0xC800] =	vst v63  }
0x52: {  	s28 =	sadd.s32 $0x3100, s26;
	s29 =	simm.s32 $0x6638  }
0x53: {  	s30 =	simm.s32 $0x1C;
	s31 =	simm.s32 $0x6718;
	s1 =	sadd.s32 $0x0, s28  }
.LBB2_15:
0x54: {  	[tilespmem:s29], [sflag:$0x1] =	stream.linear.gather [hbm4b:s1+s4], $0x38, $0x38;
	[tilespmem:$0xC800] =	vst v63  }
0x55: {  	s1 =	smov.u32 s30;
	s29 =	smov.u32 s31;
	p0 =	sne.s32 s30, $0x604  }
.Ltmp6:
0x56: {  	s30 =	sadd.s32 $0x1C, s30;
	(pc) =	sbr.rel @p0 .LBB2_15-.Ltmp6, $2  }
0x57: {  	_ =	sdelay $0x2  }
0x58: {  	s31 =	sadd.s32 $0xE0, s31;
	s1 =	sadd.s32 s1, s28  }
0x59: {  	[tilespmem:s29], [sflag:$0x1] =	stream.linear.gather [hbm4b:s1+s4], $0x38, $0x38;
	[tilespmem:$0xC800] =	vst v63  }
0x5a: {  	s26 =	sadd.s32 $0x4980, s26;
	s28 =	simm.s32 $0x9738  }
0x5b: {  	s29 =	simm.s32 $0x1C;
	s30 =	simm.s32 $0x9818;
	s1 =	sadd.s32 $0x0, s26  }
.LBB2_17:
0x5c: {  	[tilespmem:s28], [sflag:$0x1] =	stream.linear.gather [hbm4b:s1+s4], $0x38, $0x38;
	[tilespmem:$0xC800] =	vst v63  }
0x5d: {  	s1 =	smov.u32 s29;
	s28 =	smov.u32 s30;
	p0 =	sne.s32 s29, $0x604  }
.Ltmp7:
0x5e: {  	s29 =	sadd.s32 $0x1C, s29;
	(pc) =	sbr.rel @p0 .LBB2_17-.Ltmp7, $2  }
0x5f: {  	_ =	sdelay $0x2  }
0x60: {  	s30 =	sadd.s32 $0xE0, s30;
	s1 =	sadd.s32 s1, s26  }
0x61: {  	[tilespmem:s28], [sflag:$0x1] =	stream.linear.gather [hbm4b:s1+s4], $0x38, $0x38;
	[tilespmem:$0xC800] =	vst v63  }
0x62: {  	s31 =	sadd.s32 s25, s22  }
0x63: {  	s28 =	simm.s32 $0x470;
	_ =	swait.ge [sflag:s7], $0x3100;
	s1 =	sshrl.u32 s31, $0x3  }
0x64: {  	s29 =	simm.s32 $0x1C;
	[sflag:s7] =	ssyncset.done $0x0;
	s26 =	sadd.s32 s1, s10  }
0x65: {  	s30 =	simm.s32 $0x550;
	[sflag:s7] =	ssyncadd.s32 $0xFFFFCF00;
	s1 =	sadd.s32 $0x0, s26  }
.LBB2_19:
0x66: {  	[tilespmem:s28], [sflag:$0x1] =	stream.linear.gather [hbm4b:s1+s4], $0x38, $0x38;
	[tilespmem:$0xC800] =	vst v63  }
0x67: {  	s1 =	smov.u32 s29;
	s28 =	smov.u32 s30;
	p0 =	sne.s32 s29, $0x604  }
.Ltmp8:
0x68: {  	s29 =	sadd.s32 $0x1C, s29;
	(pc) =	sbr.rel @p0 .LBB2_19-.Ltmp8, $2  }
0x69: {  	_ =	sdelay $0x2  }
0x6a: {  	s30 =	sadd.s32 $0xE0, s30;
	s1 =	sadd.s32 s1, s26  }
0x6b: {  	[tilespmem:s28], [sflag:$0x1] =	stream.linear.gather [hbm4b:s1+s4], $0x38, $0x38;
	[tilespmem:$0xC800] =	vst v63  }
0x6c: {  	s28 =	sadd.s32 $0x1880, s26;
	s29 =	simm.s32 $0x3570  }
0x6d: {  	s30 =	simm.s32 $0x1C;
	s31 =	simm.s32 $0x3650;
	s1 =	sadd.s32 $0x0, s28  }
.LBB2_21:
0x6e: {  	[tilespmem:s29], [sflag:$0x1] =	stream.linear.gather [hbm4b:s1+s4], $0x38, $0x38;
	[tilespmem:$0xC800] =	vst v63  }
0x6f: {  	s1 =	smov.u32 s30;
	s29 =	smov.u32 s31;
	p0 =	sne.s32 s30, $0x604  }
.Ltmp9:
0x70: {  	s30 =	sadd.s32 $0x1C, s30;
	(pc) =	sbr.rel @p0 .LBB2_21-.Ltmp9, $2  }
0x71: {  	_ =	sdelay $0x2  }
0x72: {  	s31 =	sadd.s32 $0xE0, s31;
	s1 =	sadd.s32 s1, s28  }
0x73: {  	[tilespmem:s29], [sflag:$0x1] =	stream.linear.gather [hbm4b:s1+s4], $0x38, $0x38;
	[tilespmem:$0xC800] =	vst v63  }
0x74: {  	s28 =	sadd.s32 $0x3100, s26;
	s29 =	simm.s32 $0x6670  }
0x75: {  	s30 =	simm.s32 $0x1C;
	s31 =	simm.s32 $0x6750;
	s1 =	sadd.s32 $0x0, s28  }
.LBB2_23:
0x76: {  	[tilespmem:s29], [sflag:$0x1] =	stream.linear.gather [hbm4b:s1+s4], $0x38, $0x38;
	[tilespmem:$0xC800] =	vst v63  }
0x77: {  	s1 =	smov.u32 s30;
	s29 =	smov.u32 s31;
	p0 =	sne.s32 s30, $0x604  }
.Ltmp10:
0x78: {  	s30 =	sadd.s32 $0x1C, s30;
	(pc) =	sbr.rel @p0 .LBB2_23-.Ltmp10, $2  }
0x79: {  	_ =	sdelay $0x2  }
0x7a: {  	s31 =	sadd.s32 $0xE0, s31;
	s1 =	sadd.s32 s1, s28  }
0x7b: {  	[tilespmem:s29], [sflag:$0x1] =	stream.linear.gather [hbm4b:s1+s4], $0x38, $0x38;
	[tilespmem:$0xC800] =	vst v63  }
0x7c: {  	s26 =	sadd.s32 $0x4980, s26;
	s28 =	simm.s32 $0x9770  }
0x7d: {  	s29 =	simm.s32 $0x1C;
	s30 =	simm.s32 $0x9850;
	s1 =	sadd.s32 $0x0, s26  }
.LBB2_25:
0x7e: {  	[tilespmem:s28], [sflag:$0x1] =	stream.linear.gather [hbm4b:s1+s4], $0x38, $0x38;
	[tilespmem:$0xC800] =	vst v63  }
0x7f: {  	s1 =	smov.u32 s29;
	s28 =	smov.u32 s30;
	p0 =	sne.s32 s29, $0x604  }
.Ltmp11:
0x80: {  	s29 =	sadd.s32 $0x1C, s29;
	(pc) =	sbr.rel @p0 .LBB2_25-.Ltmp11, $2  }
0x81: {  	_ =	sdelay $0x2  }
0x82: {  	s30 =	sadd.s32 $0xE0, s30;
	s1 =	sadd.s32 s1, s26  }
0x83: {  	[tilespmem:s28], [sflag:$0x1] =	stream.linear.gather [hbm4b:s1+s4], $0x38, $0x38;
	[tilespmem:$0xC800] =	vst v63  }
0x84: {  	s31 =	sadd.s32 s25, s23  }
0x85: {  	s28 =	simm.s32 $0x4A8;
	_ =	swait.ge [sflag:s7], $0x3100;
	s1 =	sshrl.u32 s31, $0x3  }
0x86: {  	s29 =	simm.s32 $0x1C;
	[sflag:s7] =	ssyncset.done $0x0;
	s26 =	sadd.s32 s1, s11  }
0x87: {  	s30 =	simm.s32 $0x588;
	[sflag:s7] =	ssyncadd.s32 $0xFFFFCF00;
	s1 =	sadd.s32 $0x0, s26  }
.LBB2_27:
0x88: {  	[tilespmem:s28], [sflag:$0x1] =	stream.linear.gather [hbm4b:s1+s4], $0x38, $0x38;
	[tilespmem:$0xC800] =	vst v63  }
0x89: {  	s1 =	smov.u32 s29;
	s28 =	smov.u32 s30;
	p0 =	sne.s32 s29, $0x604  }
.Ltmp12:
0x8a: {  	s29 =	sadd.s32 $0x1C, s29;
	(pc) =	sbr.rel @p0 .LBB2_27-.Ltmp12, $2  }
0x8b: {  	_ =	sdelay $0x2  }
0x8c: {  	s30 =	sadd.s32 $0xE0, s30;
	s1 =	sadd.s32 s1, s26  }
0x8d: {  	[tilespmem:s28], [sflag:$0x1] =	stream.linear.gather [hbm4b:s1+s4], $0x38, $0x38;
	[tilespmem:$0xC800] =	vst v63  }
0x8e: {  	s28 =	sadd.s32 $0x1880, s26;
	s29 =	simm.s32 $0x35A8  }
0x8f: {  	s30 =	simm.s32 $0x1C;
	s31 =	simm.s32 $0x3688;
	s1 =	sadd.s32 $0x0, s28  }
.LBB2_29:
0x90: {  	[tilespmem:s29], [sflag:$0x1] =	stream.linear.gather [hbm4b:s1+s4], $0x38, $0x38;
	[tilespmem:$0xC800] =	vst v63  }
0x91: {  	s1 =	smov.u32 s30;
	s29 =	smov.u32 s31;
	p0 =	sne.s32 s30, $0x604  }
.Ltmp13:
0x92: {  	s30 =	sadd.s32 $0x1C, s30;
	(pc) =	sbr.rel @p0 .LBB2_29-.Ltmp13, $2  }
0x93: {  	_ =	sdelay $0x2  }
0x94: {  	s31 =	sadd.s32 $0xE0, s31;
	s1 =	sadd.s32 s1, s28  }
0x95: {  	[tilespmem:s29], [sflag:$0x1] =	stream.linear.gather [hbm4b:s1+s4], $0x38, $0x38;
	[tilespmem:$0xC800] =	vst v63  }
0x96: {  	s28 =	sadd.s32 $0x3100, s26;
	s29 =	simm.s32 $0x66A8  }
0x97: {  	s30 =	simm.s32 $0x1C;
	s31 =	simm.s32 $0x6788;
	s1 =	sadd.s32 $0x0, s28  }
.LBB2_31:
0x98: {  	[tilespmem:s29], [sflag:$0x1] =	stream.linear.gather [hbm4b:s1+s4], $0x38, $0x38;
	[tilespmem:$0xC800] =	vst v63  }
0x99: {  	s1 =	smov.u32 s30;
	s29 =	smov.u32 s31;
	p0 =	sne.s32 s30, $0x604  }
.Ltmp14:
0x9a: {  	s30 =	sadd.s32 $0x1C, s30;
	(pc) =	sbr.rel @p0 .LBB2_31-.Ltmp14, $2  }
0x9b: {  	_ =	sdelay $0x2  }
0x9c: {  	s31 =	sadd.s32 $0xE0, s31;
	s1 =	sadd.s32 s1, s28  }
0x9d: {  	[tilespmem:s29], [sflag:$0x1] =	stream.linear.gather [hbm4b:s1+s4], $0x38, $0x38;
	[tilespmem:$0xC800] =	vst v63  }
0x9e: {  	s26 =	sadd.s32 $0x4980, s26;
	s28 =	simm.s32 $0x97A8  }
0x9f: {  	s29 =	simm.s32 $0x1C;
	s30 =	simm.s32 $0x9888;
	s1 =	sadd.s32 $0x0, s26  }
.LBB2_33:
0xa0: {  	[tilespmem:s28], [sflag:$0x1] =	stream.linear.gather [hbm4b:s1+s4], $0x38, $0x38;
	[tilespmem:$0xC800] =	vst v63  }
0xa1: {  	s1 =	smov.u32 s29;
	s28 =	smov.u32 s30;
	p0 =	sne.s32 s29, $0x604  }
.Ltmp15:
0xa2: {  	s29 =	sadd.s32 $0x1C, s29;
	(pc) =	sbr.rel @p0 .LBB2_33-.Ltmp15, $2  }
0xa3: {  	_ =	sdelay $0x2  }
0xa4: {  	s30 =	sadd.s32 $0xE0, s30;
	s1 =	sadd.s32 s1, s26  }
0xa5: {  	[tilespmem:s28], [sflag:$0x1] =	stream.linear.gather [hbm4b:s1+s4], $0x38, $0x38;
	[tilespmem:$0xC800] =	vst v63  }
0xa6: {  	s31 =	sadd.s32 s25, s12;
	s24 =	sadd.s32 $0x1, s24;
	_ =	swait.ge [sflag:s7], $0x3100  }
0xa7: {  	s1 =	sshrl.u32 s31, $0x3;
	p0 =	sne.s32 s24, $0x18;
	[sflag:s7] =	ssyncset.done $0x0  }
.Ltmp16:
0xa8: {  	s1 =	sadd.s32 s5, s1;
	[sflag:s7] =	ssyncadd.s32 $0xFFFFCF00;
	(pc) =	sbr.rel @p0 .LBB2_2-.Ltmp16, $4  }
0xa9: {  	[hbm4b:s1+s16] =	stream.strided.scatter [tilespmem:s18], [sflag:$0x1], $0xC400, s17, s16, $0x38;
	[tilespmem:$0xC800] =	vst v63  }
0xaa: {  	_ =	swait.ge [sflag:s7], $0xC400  }
0xab: {  	[sflag:s7] =	ssyncset.done $0x0  }
0xac: {  	[sflag:s7] =	ssyncadd.s32 $0xFFFF3C00  }
0xad: {  	v0 =	vld [tilespmem:s8+$0x10];
	_ =	sdelay $0x4  }
0xae: {  	v0 =	vmul.u32 $0x498000, v0;
	_ =	sdelay $0x1  }
0xaf: {  	v0 =	vadd.s32 s13, v0  }
0xb0: {  	(v2sf) =	vpush v0, $0x0  }
0xb1: {  	(v2sf) =	vpush v0, $0x1  }
0xb2: {  	(v2sf) =	vpush v0, $0x2  }
0xb3: {  	(v2sf) =	vpush v0, $0x3;
	_ =	sdelay $0xb  }
0xb4: {  	s20 =	spop (v2sf)  }
0xb5: {  	s21 =	spop (v2sf)  }
0xb6: {  	s22 =	spop (v2sf)  }
0xb7: {  	s24 =	simm.s32 $0x0;
	s23 =	spop (v2sf)  }
.LBB2_36:
0xb8: {  	s25 =	smul.u32 $0x31000, s24;
	_ =	sdelay $0x1  }
0xb9: {  	s1 =	sadd.s32 s20, s25  }
0xba: {  	s1 =	sshrl.u32 s1, $0x3  }
0xbb: {  	s28 =	simm.s32 $0x400;
	s26 =	sadd.s32 s2, s1  }
0xbc: {  	s29 =	simm.s32 $0x1C;
	s30 =	simm.s32 $0x4E0;
	s1 =	sadd.s32 $0x0, s26  }
.LBB2_37:
0xbd: {  	[tilespmem:s28], [sflag:$0x1] =	stream.linear.gather [hbm4b:s1+s4], $0x38, $0x38;
	[tilespmem:$0xC800] =	vst v63  }
0xbe: {  	s1 =	smov.u32 s29;
	s28 =	smov.u32 s30;
	p0 =	sne.s32 s29, $0x604  }
.Ltmp17:
0xbf: {  	s29 =	sadd.s32 $0x1C, s29;
	(pc) =	sbr.rel @p0 .LBB2_37-.Ltmp17, $2  }
0xc0: {  	_ =	sdelay $0x2  }
0xc1: {  	s30 =	sadd.s32 $0xE0, s30;
	s1 =	sadd.s32 s1, s26  }
0xc2: {  	[tilespmem:s28], [sflag:$0x1] =	stream.linear.gather [hbm4b:s1+s4], $0x38, $0x38;
	[tilespmem:$0xC800] =	vst v63  }
0xc3: {  	s28 =	sadd.s32 $0x1880, s26;
	s29 =	simm.s32 $0x3500  }
0xc4: {  	s30 =	simm.s32 $0x1C;
	s31 =	simm.s32 $0x35E0;
	s1 =	sadd.s32 $0x0, s28  }
.LBB2_39:
0xc5: {  	[tilespmem:s29], [sflag:$0x1] =	stream.linear.gather [hbm4b:s1+s4], $0x38, $0x38;
	[tilespmem:$0xC800] =	vst v63  }
0xc6: {  	s1 =	smov.u32 s30;
	s29 =	smov.u32 s31;
	p0 =	sne.s32 s30, $0x604  }
.Ltmp18:
0xc7: {  	s30 =	sadd.s32 $0x1C, s30;
	(pc) =	sbr.rel @p0 .LBB2_39-.Ltmp18, $2  }
0xc8: {  	_ =	sdelay $0x2  }
0xc9: {  	s31 =	sadd.s32 $0xE0, s31;
	s1 =	sadd.s32 s1, s28  }
0xca: {  	[tilespmem:s29], [sflag:$0x1] =	stream.linear.gather [hbm4b:s1+s4], $0x38, $0x38;
	[tilespmem:$0xC800] =	vst v63  }
0xcb: {  	s28 =	sadd.s32 $0x3100, s26;
	s29 =	simm.s32 $0x6600  }
0xcc: {  	s30 =	simm.s32 $0x1C;
	s31 =	simm.s32 $0x66E0;
	s1 =	sadd.s32 $0x0, s28  }
.LBB2_41:
0xcd: {  	[tilespmem:s29], [sflag:$0x1] =	stream.linear.gather [hbm4b:s1+s4], $0x38, $0x38;
	[tilespmem:$0xC800] =	vst v63  }
0xce: {  	s1 =	smov.u32 s30;
	s29 =	smov.u32 s31;
	p0 =	sne.s32 s30, $0x604  }
.Ltmp19:
0xcf: {  	s30 =	sadd.s32 $0x1C, s30;
	(pc) =	sbr.rel @p0 .LBB2_41-.Ltmp19, $2  }
0xd0: {  	_ =	sdelay $0x2  }
0xd1: {  	s31 =	sadd.s32 $0xE0, s31;
	s1 =	sadd.s32 s1, s28  }
0xd2: {  	[tilespmem:s29], [sflag:$0x1] =	stream.linear.gather [hbm4b:s1+s4], $0x38, $0x38;
	[tilespmem:$0xC800] =	vst v63  }
0xd3: {  	s26 =	sadd.s32 $0x4980, s26;
	s28 =	simm.s32 $0x9700  }
0xd4: {  	s29 =	simm.s32 $0x1C;
	s30 =	simm.s32 $0x97E0;
	s1 =	sadd.s32 $0x0, s26  }
.LBB2_43:
0xd5: {  	[tilespmem:s28], [sflag:$0x1] =	stream.linear.gather [hbm4b:s1+s4], $0x38, $0x38;
	[tilespmem:$0xC800] =	vst v63  }
0xd6: {  	s1 =	smov.u32 s29;
	s28 =	smov.u32 s30;
	p0 =	sne.s32 s29, $0x604  }
.Ltmp20:
0xd7: {  	s29 =	sadd.s32 $0x1C, s29;
	(pc) =	sbr.rel @p0 .LBB2_43-.Ltmp20, $2  }
0xd8: {  	_ =	sdelay $0x2  }
0xd9: {  	s30 =	sadd.s32 $0xE0, s30;
	s1 =	sadd.s32 s1, s26  }
0xda: {  	[tilespmem:s28], [sflag:$0x1] =	stream.linear.gather [hbm4b:s1+s4], $0x38, $0x38;
	[tilespmem:$0xC800] =	vst v63  }
0xdb: {  	s31 =	sadd.s32 s25, s21  }
0xdc: {  	s28 =	simm.s32 $0x438;
	_ =	swait.ge [sflag:s7], $0x3100;
	s1 =	sshrl.u32 s31, $0x3  }
0xdd: {  	s29 =	simm.s32 $0x1C;
	[sflag:s7] =	ssyncset.done $0x0;
	s26 =	sadd.s32 s1, s9  }
0xde: {  	s30 =	simm.s32 $0x518;
	[sflag:s7] =	ssyncadd.s32 $0xFFFFCF00;
	s1 =	sadd.s32 $0x0, s26  }
.LBB2_45:
0xdf: {  	[tilespmem:s28], [sflag:$0x1] =	stream.linear.gather [hbm4b:s1+s4], $0x38, $0x38;
	[tilespmem:$0xC800] =	vst v63  }
0xe0: {  	s1 =	smov.u32 s29;
	s28 =	smov.u32 s30;
	p0 =	sne.s32 s29, $0x604  }
.Ltmp21:
0xe1: {  	s29 =	sadd.s32 $0x1C, s29;
	(pc) =	sbr.rel @p0 .LBB2_45-.Ltmp21, $2  }
0xe2: {  	_ =	sdelay $0x2  }
0xe3: {  	s30 =	sadd.s32 $0xE0, s30;
	s1 =	sadd.s32 s1, s26  }
0xe4: {  	[tilespmem:s28], [sflag:$0x1] =	stream.linear.gather [hbm4b:s1+s4], $0x38, $0x38;
	[tilespmem:$0xC800] =	vst v63  }
0xe5: {  	s28 =	sadd.s32 $0x1880, s26;
	s29 =	simm.s32 $0x3538  }
0xe6: {  	s30 =	simm.s32 $0x1C;
	s31 =	simm.s32 $0x3618;
	s1 =	sadd.s32 $0x0, s28  }
.LBB2_47:
0xe7: {  	[tilespmem:s29], [sflag:$0x1] =	stream.linear.gather [hbm4b:s1+s4], $0x38, $0x38;
	[tilespmem:$0xC800] =	vst v63  }
0xe8: {  	s1 =	smov.u32 s30;
	s29 =	smov.u32 s31;
	p0 =	sne.s32 s30, $0x604  }
.Ltmp22:
0xe9: {  	s30 =	sadd.s32 $0x1C, s30;
	(pc) =	sbr.rel @p0 .LBB2_47-.Ltmp22, $2  }
0xea: {  	_ =	sdelay $0x2  }
0xeb: {  	s31 =	sadd.s32 $0xE0, s31;
	s1 =	sadd.s32 s1, s28  }
0xec: {  	[tilespmem:s29], [sflag:$0x1] =	stream.linear.gather [hbm4b:s1+s4], $0x38, $0x38;
	[tilespmem:$0xC800] =	vst v63  }
0xed: {  	s28 =	sadd.s32 $0x3100, s26;
	s29 =	simm.s32 $0x6638  }
0xee: {  	s30 =	simm.s32 $0x1C;
	s31 =	simm.s32 $0x6718;
	s1 =	sadd.s32 $0x0, s28  }
.LBB2_49:
0xef: {  	[tilespmem:s29], [sflag:$0x1] =	stream.linear.gather [hbm4b:s1+s4], $0x38, $0x38;
	[tilespmem:$0xC800] =	vst v63  }
0xf0: {  	s1 =	smov.u32 s30;
	s29 =	smov.u32 s31;
	p0 =	sne.s32 s30, $0x604  }
.Ltmp23:
0xf1: {  	s30 =	sadd.s32 $0x1C, s30;
	(pc) =	sbr.rel @p0 .LBB2_49-.Ltmp23, $2  }
0xf2: {  	_ =	sdelay $0x2  }
0xf3: {  	s31 =	sadd.s32 $0xE0, s31;
	s1 =	sadd.s32 s1, s28  }
0xf4: {  	[tilespmem:s29], [sflag:$0x1] =	stream.linear.gather [hbm4b:s1+s4], $0x38, $0x38;
	[tilespmem:$0xC800] =	vst v63  }
0xf5: {  	s26 =	sadd.s32 $0x4980, s26;
	s28 =	simm.s32 $0x9738  }
0xf6: {  	s29 =	simm.s32 $0x1C;
	s30 =	simm.s32 $0x9818;
	s1 =	sadd.s32 $0x0, s26  }
.LBB2_51:
0xf7: {  	[tilespmem:s28], [sflag:$0x1] =	stream.linear.gather [hbm4b:s1+s4], $0x38, $0x38;
	[tilespmem:$0xC800] =	vst v63  }
0xf8: {  	s1 =	smov.u32 s29;
	s28 =	smov.u32 s30;
	p0 =	sne.s32 s29, $0x604  }
.Ltmp24:
0xf9: {  	s29 =	sadd.s32 $0x1C, s29;
	(pc) =	sbr.rel @p0 .LBB2_51-.Ltmp24, $2  }
0xfa: {  	_ =	sdelay $0x2  }
0xfb: {  	s30 =	sadd.s32 $0xE0, s30;
	s1 =	sadd.s32 s1, s26  }
0xfc: {  	[tilespmem:s28], [sflag:$0x1] =	stream.linear.gather [hbm4b:s1+s4], $0x38, $0x38;
	[tilespmem:$0xC800] =	vst v63  }
0xfd: {  	s31 =	sadd.s32 s25, s22  }
0xfe: {  	s28 =	simm.s32 $0x470;
	_ =	swait.ge [sflag:s7], $0x3100;
	s1 =	sshrl.u32 s31, $0x3  }
0xff: {  	s29 =	simm.s32 $0x1C;
	[sflag:s7] =	ssyncset.done $0x0;
	s26 =	sadd.s32 s1, s10  }
0x100: {  	s30 =	simm.s32 $0x550;
	[sflag:s7] =	ssyncadd.s32 $0xFFFFCF00;
	s1 =	sadd.s32 $0x0, s26  }
.LBB2_53:
0x101: {  	[tilespmem:s28], [sflag:$0x1] =	stream.linear.gather [hbm4b:s1+s4], $0x38, $0x38;
	[tilespmem:$0xC800] =	vst v63  }
0x102: {  	s1 =	smov.u32 s29;
	s28 =	smov.u32 s30;
	p0 =	sne.s32 s29, $0x604  }
.Ltmp25:
0x103: {  	s29 =	sadd.s32 $0x1C, s29;
	(pc) =	sbr.rel @p0 .LBB2_53-.Ltmp25, $2  }
0x104: {  	_ =	sdelay $0x2  }
0x105: {  	s30 =	sadd.s32 $0xE0, s30;
	s1 =	sadd.s32 s1, s26  }
0x106: {  	[tilespmem:s28], [sflag:$0x1] =	stream.linear.gather [hbm4b:s1+s4], $0x38, $0x38;
	[tilespmem:$0xC800] =	vst v63  }
0x107: {  	s28 =	sadd.s32 $0x1880, s26;
	s29 =	simm.s32 $0x3570  }
0x108: {  	s30 =	simm.s32 $0x1C;
	s31 =	simm.s32 $0x3650;
	s1 =	sadd.s32 $0x0, s28  }
.LBB2_55:
0x109: {  	[tilespmem:s29], [sflag:$0x1] =	stream.linear.gather [hbm4b:s1+s4], $0x38, $0x38;
	[tilespmem:$0xC800] =	vst v63  }
0x10a: {  	s1 =	smov.u32 s30;
	s29 =	smov.u32 s31;
	p0 =	sne.s32 s30, $0x604  }
.Ltmp26:
0x10b: {  	s30 =	sadd.s32 $0x1C, s30;
	(pc) =	sbr.rel @p0 .LBB2_55-.Ltmp26, $2  }
0x10c: {  	_ =	sdelay $0x2  }
0x10d: {  	s31 =	sadd.s32 $0xE0, s31;
	s1 =	sadd.s32 s1, s28  }
0x10e: {  	[tilespmem:s29], [sflag:$0x1] =	stream.linear.gather [hbm4b:s1+s4], $0x38, $0x38;
	[tilespmem:$0xC800] =	vst v63  }
0x10f: {  	s28 =	sadd.s32 $0x3100, s26;
	s29 =	simm.s32 $0x6670  }
0x110: {  	s30 =	simm.s32 $0x1C;
	s31 =	simm.s32 $0x6750;
	s1 =	sadd.s32 $0x0, s28  }
.LBB2_57:
0x111: {  	[tilespmem:s29], [sflag:$0x1] =	stream.linear.gather [hbm4b:s1+s4], $0x38, $0x38;
	[tilespmem:$0xC800] =	vst v63  }
0x112: {  	s1 =	smov.u32 s30;
	s29 =	smov.u32 s31;
	p0 =	sne.s32 s30, $0x604  }
.Ltmp27:
0x113: {  	s30 =	sadd.s32 $0x1C, s30;
	(pc) =	sbr.rel @p0 .LBB2_57-.Ltmp27, $2  }
0x114: {  	_ =	sdelay $0x2  }
0x115: {  	s31 =	sadd.s32 $0xE0, s31;
	s1 =	sadd.s32 s1, s28  }
0x116: {  	[tilespmem:s29], [sflag:$0x1] =	stream.linear.gather [hbm4b:s1+s4], $0x38, $0x38;
	[tilespmem:$0xC800] =	vst v63  }
0x117: {  	s26 =	sadd.s32 $0x4980, s26;
	s28 =	simm.s32 $0x9770  }
0x118: {  	s29 =	simm.s32 $0x1C;
	s30 =	simm.s32 $0x9850;
	s1 =	sadd.s32 $0x0, s26  }
.LBB2_59:
0x119: {  	[tilespmem:s28], [sflag:$0x1] =	stream.linear.gather [hbm4b:s1+s4], $0x38, $0x38;
	[tilespmem:$0xC800] =	vst v63  }
0x11a: {  	s1 =	smov.u32 s29;
	s28 =	smov.u32 s30;
	p0 =	sne.s32 s29, $0x604  }
.Ltmp28:
0x11b: {  	s29 =	sadd.s32 $0x1C, s29;
	(pc) =	sbr.rel @p0 .LBB2_59-.Ltmp28, $2  }
0x11c: {  	_ =	sdelay $0x2  }
0x11d: {  	s30 =	sadd.s32 $0xE0, s30;
	s1 =	sadd.s32 s1, s26  }
0x11e: {  	[tilespmem:s28], [sflag:$0x1] =	stream.linear.gather [hbm4b:s1+s4], $0x38, $0x38;
	[tilespmem:$0xC800] =	vst v63  }
0x11f: {  	s31 =	sadd.s32 s25, s23  }
0x120: {  	s28 =	simm.s32 $0x4A8;
	_ =	swait.ge [sflag:s7], $0x3100;
	s1 =	sshrl.u32 s31, $0x3  }
0x121: {  	s29 =	simm.s32 $0x1C;
	[sflag:s7] =	ssyncset.done $0x0;
	s26 =	sadd.s32 s1, s11  }
0x122: {  	s30 =	simm.s32 $0x588;
	[sflag:s7] =	ssyncadd.s32 $0xFFFFCF00;
	s1 =	sadd.s32 $0x0, s26  }
.LBB2_61:
0x123: {  	[tilespmem:s28], [sflag:$0x1] =	stream.linear.gather [hbm4b:s1+s4], $0x38, $0x38;
	[tilespmem:$0xC800] =	vst v63  }
0x124: {  	s1 =	smov.u32 s29;
	s28 =	smov.u32 s30;
	p0 =	sne.s32 s29, $0x604  }
.Ltmp29:
0x125: {  	s29 =	sadd.s32 $0x1C, s29;
	(pc) =	sbr.rel @p0 .LBB2_61-.Ltmp29, $2  }
0x126: {  	_ =	sdelay $0x2  }
0x127: {  	s30 =	sadd.s32 $0xE0, s30;
	s1 =	sadd.s32 s1, s26  }
0x128: {  	[tilespmem:s28], [sflag:$0x1] =	stream.linear.gather [hbm4b:s1+s4], $0x38, $0x38;
	[tilespmem:$0xC800] =	vst v63  }
0x129: {  	s28 =	sadd.s32 $0x1880, s26;
	s29 =	simm.s32 $0x35A8  }
0x12a: {  	s30 =	simm.s32 $0x1C;
	s31 =	simm.s32 $0x3688;
	s1 =	sadd.s32 $0x0, s28  }
.LBB2_63:
0x12b: {  	[tilespmem:s29], [sflag:$0x1] =	stream.linear.gather [hbm4b:s1+s4], $0x38, $0x38;
	[tilespmem:$0xC800] =	vst v63  }
0x12c: {  	s1 =	smov.u32 s30;
	s29 =	smov.u32 s31;
	p0 =	sne.s32 s30, $0x604  }
.Ltmp30:
0x12d: {  	s30 =	sadd.s32 $0x1C, s30;
	(pc) =	sbr.rel @p0 .LBB2_63-.Ltmp30, $2  }
0x12e: {  	_ =	sdelay $0x2  }
0x12f: {  	s31 =	sadd.s32 $0xE0, s31;
	s1 =	sadd.s32 s1, s28  }
0x130: {  	[tilespmem:s29], [sflag:$0x1] =	stream.linear.gather [hbm4b:s1+s4], $0x38, $0x38;
	[tilespmem:$0xC800] =	vst v63  }
0x131: {  	s28 =	sadd.s32 $0x3100, s26;
	s29 =	simm.s32 $0x66A8  }
0x132: {  	s30 =	simm.s32 $0x1C;
	s31 =	simm.s32 $0x6788;
	s1 =	sadd.s32 $0x0, s28  }
.LBB2_65:
0x133: {  	[tilespmem:s29], [sflag:$0x1] =	stream.linear.gather [hbm4b:s1+s4], $0x38, $0x38;
	[tilespmem:$0xC800] =	vst v63  }
0x134: {  	s1 =	smov.u32 s30;
	s29 =	smov.u32 s31;
	p0 =	sne.s32 s30, $0x604  }
.Ltmp31:
0x135: {  	s30 =	sadd.s32 $0x1C, s30;
	(pc) =	sbr.rel @p0 .LBB2_65-.Ltmp31, $2  }
0x136: {  	_ =	sdelay $0x2  }
0x137: {  	s31 =	sadd.s32 $0xE0, s31;
	s1 =	sadd.s32 s1, s28  }
0x138: {  	[tilespmem:s29], [sflag:$0x1] =	stream.linear.gather [hbm4b:s1+s4], $0x38, $0x38;
	[tilespmem:$0xC800] =	vst v63  }
0x139: {  	s26 =	sadd.s32 $0x4980, s26;
	s28 =	simm.s32 $0x97A8  }
0x13a: {  	s29 =	simm.s32 $0x1C;
	s30 =	simm.s32 $0x9888;
	s1 =	sadd.s32 $0x0, s26  }
.LBB2_67:
0x13b: {  	[tilespmem:s28], [sflag:$0x1] =	stream.linear.gather [hbm4b:s1+s4], $0x38, $0x38;
	[tilespmem:$0xC800] =	vst v63  }
0x13c: {  	s1 =	smov.u32 s29;
	s28 =	smov.u32 s30;
	p0 =	sne.s32 s29, $0x604  }
.Ltmp32:
0x13d: {  	s29 =	sadd.s32 $0x1C, s29;
	(pc) =	sbr.rel @p0 .LBB2_67-.Ltmp32, $2  }
0x13e: {  	_ =	sdelay $0x2  }
0x13f: {  	s30 =	sadd.s32 $0xE0, s30;
	s1 =	sadd.s32 s1, s26  }
0x140: {  	[tilespmem:s28], [sflag:$0x1] =	stream.linear.gather [hbm4b:s1+s4], $0x38, $0x38;
	[tilespmem:$0xC800] =	vst v63  }
0x141: {  	s31 =	sadd.s32 s14, s25;
	s24 =	sadd.s32 $0x1, s24;
	_ =	swait.ge [sflag:s7], $0x3100  }
0x142: {  	s1 =	sshrl.u32 s31, $0x3;
	p0 =	sne.s32 s24, $0x18;
	[sflag:s7] =	ssyncset.done $0x0  }
.Ltmp33:
0x143: {  	s1 =	sadd.s32 s5, s1;
	[sflag:s7] =	ssyncadd.s32 $0xFFFFCF00;
	(pc) =	sbr.rel @p0 .LBB2_36-.Ltmp33, $4  }
0x144: {  	[hbm4b:s1+s16] =	stream.strided.scatter [tilespmem:s18], [sflag:$0x1], $0xC400, s17, s16, $0x38;
	[tilespmem:$0xC800] =	vst v63  }
0x145: {  	_ =	swait.ge [sflag:s7], $0xC400  }
0x146: {  	[sflag:s7] =	ssyncset.done $0x0  }
0x147: {  	[sflag:s7] =	ssyncadd.s32 $0xFFFF3C00  }
0x148: {  	s19 =	sadd.s32 $0x1, s19  }
0x149: {  	p0 =	sne.s32 s19, s15  }
.Ltmp34:
0x14a: {  	_ = 	snop;
	(pc) =	sbr.rel @p0 .LBB2_1-.Ltmp34, $1  }
0x14b: {  	_ =	sdelay $0x3  }
0x14c: {  	_ =	sfence.sel $0x180000  }
0x14d: {  	[bflag:$0x0] =	sbarrier.arrive $0xFFFF  }
0x14e: {  	_ =	strace $0x90000047  }
0x14f: {  	[bflag:$0x2] =	sbarrier.arrive $0xFFFF  }
0x150: {  	p0 =	sne.s32 s0, $0x0;
	s0 =	rddreg [dreg:$0x2]  }
0x151: {  	s0 =	sadd.s32 @!p0 $0x100000, s0  }
0x152: {  	[sflag:s0] =	ssyncadd.tile.s32 @!p0 $0x1;
	_ =	shalt  }
.Lfunc_end2:
_tile_overlayer_lowered:
.L_overlay_start_2:
0x153: {  	(tag) =	ssettag $0x2  }
0x154: {  	s0 =	rddreg [dreg:$0x0];
	s2 =	stileid.u32  }
0x155: {  	s1 =	rddreg [dreg:$0x1];
	p0 =	sne.s32 s2, $0x0  }
0x156: {  	s3 =	rddreg [dreg:$0x2];
	[bflag:$0x3] =	sbarrier.arrive $0xFFFF;
	s2 =	simm.s32 @!p0 $0x1C01  }
0x157: {  	[timem:s3], [sflag:s2] =	dma.local @!p0 [hbm:s0], s1  }
0x158: {  	s0 =	simm.s32 @!p0 $0x1  }
0x159: {  	_ =	swait.ge @!p0 [sflag:s0], s1  }
0x15a: {  	s1 =	ssub.s32 @!p0 $0x0, s1;
	[sflag:s0] =	ssyncset.done @!p0 $0x0  }
0x15b: {  	[sflag:s0] =	ssyncadd.s32 @!p0 s1  }
0x15c: {  	[bflag:$0x3] =	sbarrier.arrive $0xFFFF  }
0x15d: {  	_ =	shalt  }

</sc_bundles>
